<compile_context>
chip_gen: v7x
topology: tpu7x:2x2x1
jax: 0.10.2.dev20260603
libtpu: 0.0.44.dev20260713+nightly
codegen_flags: <defaults>
</compile_context>

<pallas_src>
import functools

import jax
import jax.numpy as jnp
from jax import lax
from jax.experimental import pallas as pl
from jax.experimental.pallas import tpu as pltpu
from jax.experimental.pallas import tpu_sc as plsc

MAP_DIM = 128
N_MAP = 10000
N_AGT = 5000
N_EDGE = 320000
AG_DIM = 80
AG_PAD = 128

NC = 2
NS = 16

CHUNK = 128
N_CHUNKS = 2560
E_PAD = N_CHUNKS * CHUNK
CPS = N_CHUNKS // NS
BLK_CHUNKS = 40
N_BLKS = CPS // BLK_CHUNKS

HALF = N_MAP // NC
ACC_ROWS = 5120
ZR = ACC_ROWS // NS


def _sc_accumulate(agent_tab, u2, v2):
    mesh = plsc.VectorSubcoreMesh(core_axis_name="c", subcore_axis_name="s")

    @functools.partial(
        pl.kernel,
        out_type=jax.ShapeDtypeStruct((NC * ACC_ROWS, AG_PAD), jnp.float32),
        mesh=mesh,
        scratch_types=[
            pltpu.VMEM((BLK_CHUNKS, CHUNK), jnp.int32),
            pltpu.VMEM((BLK_CHUNKS, CHUNK), jnp.int32),
            pltpu.VMEM((CHUNK,), jnp.int32),
            pltpu.VMEM((CHUNK, AG_PAD), jnp.float32),
            pltpu.VMEM((CHUNK, AG_PAD), jnp.float32),
            pltpu.VMEM_SHARED((N_AGT, AG_PAD), jnp.float32),
            pltpu.VMEM_SHARED((ACC_ROWS, AG_PAD), jnp.float32),
            pltpu.SemaphoreType.DMA,
            pltpu.SemaphoreType.DMA,
        ],
    )
    def k(tab_hbm, u_hbm, v_hbm, out_hbm, u_t, v_t, vt2, rows_a, rows_b,
          tab, acc, sem_ga, sem_gb):
        cid = lax.axis_index("c")
        sid = lax.axis_index("s")
        lo = cid * HALF

        @pl.loop(0, CHUNK)
        def _(r):
            @pl.loop(0, AG_PAD, step=16)
            def _(cc):
                rows_a[r, pl.ds(cc, 16)] = jnp.zeros((16,), jnp.float32)

        @pl.loop(0, ZR, step=CHUNK)
        def _(r):
            pltpu.sync_copy(rows_a, acc.at[pl.ds(sid * ZR + r, CHUNK)])
        pltpu.sync_copy(rows_a.at[pl.ds(0, 64)],
                        acc.at[pl.ds(sid * ZR + 256, 64)])

        @pl.when(sid < NS - 1)
        def _():
            pltpu.sync_copy(tab_hbm.at[pl.ds(sid * 312, 312)],
                            tab.at[pl.ds(sid * 312, 312)])

        @pl.when(sid == NS - 1)
        def _():
            pltpu.sync_copy(tab_hbm.at[pl.ds(4680, 320)],
                            tab.at[pl.ds(4680, 320)])

        plsc.subcore_barrier()

        trash16 = lax.broadcasted_iota(jnp.int32, (16,), 0) + HALF

        def transform(vrow, vt2):
            for t in range(CHUNK // 16):
                x = vrow[pl.ds(t * 16, 16)]
                xs = x - lo
                inr = (xs >= 0) & (xs < HALF)
                vt2[pl.ds(t * 16, 16)] = jnp.where(inr, xs,
                                                   trash16 + 16 * (t % 7))

        def proc(rows_buf, vrow):
            transform(vrow, vt2)
            pltpu.sync_copy(rows_buf, acc.at[vt2], add=True)

        @pl.loop(0, N_BLKS)
        def _(b):
            base = sid * CPS + b * BLK_CHUNKS
            pltpu.sync_copy(u_hbm.at[pl.ds(base, BLK_CHUNKS)], u_t)
            pltpu.sync_copy(v_hbm.at[pl.ds(base, BLK_CHUNKS)], v_t)
            pltpu.async_copy(tab.at[u_t.at[0]], rows_a, sem_ga)

            @pl.loop(0, BLK_CHUNKS - 2, step=2)
            def _(j):
                pltpu.async_copy(tab.at[u_t.at[j + 1]], rows_b, sem_gb)
                pltpu.make_async_copy(tab.at[u_t.at[j]], rows_a,
                                      sem_ga).wait()
                proc(rows_a, v_t.at[j])
                pltpu.async_copy(tab.at[u_t.at[j + 2]], rows_a, sem_ga)
                pltpu.make_async_copy(tab.at[u_t.at[j + 1]], rows_b,
                                      sem_gb).wait()
                proc(rows_b, v_t.at[j + 1])

            jl = BLK_CHUNKS - 1
            pltpu.async_copy(tab.at[u_t.at[jl]], rows_b, sem_gb)
            pltpu.make_async_copy(tab.at[u_t.at[jl - 1]], rows_a,
                                  sem_ga).wait()
            proc(rows_a, v_t.at[jl - 1])
            pltpu.make_async_copy(tab.at[u_t.at[jl]], rows_b, sem_gb).wait()
            proc(rows_b, v_t.at[jl])

        plsc.subcore_barrier()
        pltpu.sync_copy(
            acc.at[pl.ds(sid * ZR, ZR)],
            out_hbm.at[pl.ds(cid * ACC_ROWS + sid * ZR, ZR)],
        )

    return k(agent_tab, u2, v2)


BLK = 2000


def _tc_finish_body(f_ref, a_ref, wm_ref, wa_ref, g_ref, b_ref, o_ref):
    dn = (((1,), (1,)), ((), ()))
    x = lax.dot_general(f_ref[...], wm_ref[...], dn,
                        precision=lax.Precision.HIGHEST,
                        preferred_element_type=jnp.float32)
    x = x + lax.dot_general(a_ref[...], wa_ref[...], dn,
                            precision=lax.Precision.HIGHEST,
                            preferred_element_type=jnp.float32)
    mean = jnp.mean(x, axis=1, keepdims=True)
    xc = x - mean
    var = jnp.mean(xc * xc, axis=1, keepdims=True)
    xhat = xc / jnp.sqrt(var + 1e-5)
    y = xhat * g_ref[...][None, :] + b_ref[...][None, :]
    o_ref[...] = jnp.maximum(y, 0.0)


def _tc_finish(feats, acc, W_map, W_agt_pad, gn_gamma, gn_beta):
    grid = (N_MAP // BLK,)
    return pl.pallas_call(
        _tc_finish_body,
        grid=grid,
        in_specs=[
            pl.BlockSpec((BLK, 8), lambda i: (i, 0)),
            pl.BlockSpec((BLK, AG_PAD), lambda i: (i, 0)),
            pl.BlockSpec((MAP_DIM, 8), lambda i: (0, 0)),
            pl.BlockSpec((MAP_DIM, AG_PAD), lambda i: (0, 0)),
            pl.BlockSpec((MAP_DIM,), lambda i: (0,)),
            pl.BlockSpec((MAP_DIM,), lambda i: (0,)),
        ],
        out_specs=pl.BlockSpec((BLK, MAP_DIM), lambda i: (i, 0)),
        out_shape=jax.ShapeDtypeStruct((N_MAP, MAP_DIM), jnp.float32),
    )(feats, acc, W_map, W_agt_pad, gn_gamma, gn_beta)


def kernel(feats, agent_feat, a2m_u, a2m_v, W_map, W_agt, gn_gamma, gn_beta):
    u = a2m_u.astype(jnp.int32)
    v = a2m_v.astype(jnp.int32)
    pad = E_PAD - N_EDGE
    u2 = jnp.concatenate([u, jnp.zeros((pad,), jnp.int32)])
    v2 = jnp.concatenate([v, jnp.full((pad,), N_MAP, jnp.int32)])
    u2 = u2.reshape(N_CHUNKS, CHUNK)
    v2 = v2.reshape(N_CHUNKS, CHUNK)

    agent_tab = jnp.pad(agent_feat, ((0, 0), (0, AG_PAD - AG_DIM)))
    accs = _sc_accumulate(agent_tab, u2, v2)
    acc = jnp.concatenate([accs[:HALF], accs[ACC_ROWS:ACC_ROWS + HALF]])
    W_agt_pad = jnp.pad(W_agt, ((0, 0), (0, AG_PAD - AG_DIM)))
    return _tc_finish(feats, acc, W_map, W_agt_pad, gn_gamma, gn_beta)

# --- scband reference (transcript-rebuilt; emitter-appended) ---
"""Pipeline reference for scband-lane-input-79577154060429 (READ-ONLY COPY).

The authoritative reference and input builder live on the scoring server;
editing this copy changes nothing except your own understanding.
"""

import jax, jax.numpy as jnp
import numpy as np

MAP_DIM = 128
N_MAP = 10000
N_AGT = 5000
N_EDGE = 320000

def setup_inputs(seed: int = 0) -> dict:
    key = jax.random.key(seed)
    ks = jax.random.split(key, 8)
    feats = jax.random.normal(ks[0], (N_MAP, 8), dtype=jnp.float32)
    agent_feat = jax.random.normal(ks[1], (N_AGT, 80), dtype=jnp.float32)
    a2m_u = jax.random.randint(ks[2], (N_EDGE,), 0, N_AGT, dtype=jnp.int64 if jax.config.jax_enable_x64 else jnp.int32)
    a2m_v = jax.random.randint(ks[3], (N_EDGE,), 0, N_MAP, dtype=jnp.int64 if jax.config.jax_enable_x64 else jnp.int32)
    # learned params
    W_map = jax.random.normal(ks[4], (MAP_DIM, 8), dtype=jnp.float32) * (1.0 / np.sqrt(8))
    W_agt = jax.random.normal(ks[5], (MAP_DIM, 80), dtype=jnp.float32) * (1.0 / np.sqrt(80))
    gn_gamma = jnp.ones((MAP_DIM,), dtype=jnp.float32)
    gn_beta = jnp.zeros((MAP_DIM,), dtype=jnp.float32)
    return {"feats": feats, "agent_feat": agent_feat, "a2m_u": a2m_u, "a2m_v": a2m_v,
            "W_map": W_map, "W_agt": W_agt, "gn_gamma": gn_gamma, "gn_beta": gn_beta}

def _group_norm1(x, gamma, beta, eps=1e-5):
    # GroupNorm with num_groups=1 over [N, C]: normalize over channel dim per row
    mean = jnp.mean(x, axis=1, keepdims=True)
    var = jnp.mean((x - mean) ** 2, axis=1, keepdims=True)
    xhat = (x - mean) / jnp.sqrt(var + eps)
    return xhat * gamma[None, :] + beta[None, :]

def reference(feats, agent_feat, a2m_u, a2m_v, W_map, W_agt, gn_gamma, gn_beta):
    map_feats = feats @ W_map.T                      # [N_MAP, 128]
    gathered = jnp.take(agent_feat, a2m_u, axis=0)   # gather [E, 80]
    msgs = gathered @ W_agt.T                        # [E, 128]
    map_feats = map_feats.at[a2m_v].add(msgs)        # scatter-add
    map_feats = _group_norm1(map_feats, gn_gamma, gn_beta)
    map_feats = jax.nn.relu(map_feats)
    return map_feats

if __name__ == "__main__":
    import jax
    _d = setup_inputs()
    print(jax.jit(kernel)(*tuple(_d.values())))

</pallas_src>

<mosaic_0001>
#map = affine_map<(d0, d1) -> (0, 0)>
module attributes {stable_mosaic.version = 14 : i64} {
  func.func @k(%arg0: i32, %arg1: i32, %arg2: memref<5000x128xf32, #tpu.memory_space<hbm>>, %arg3: memref<2560x128xi32, #tpu.memory_space<hbm>>, %arg4: memref<2560x128xi32, #tpu.memory_space<hbm>>, %arg5: memref<10240x128xf32, #tpu.memory_space<hbm>>, %arg6: memref<40x128xi32, #tpu.memory_space<vmem>>, %arg7: memref<40x128xi32, #tpu.memory_space<vmem>>, %arg8: memref<128xi32, #tpu.memory_space<vmem>>, %arg9: memref<128x128xf32, #tpu.memory_space<vmem>>, %arg10: memref<128x128xf32, #tpu.memory_space<vmem>>, %arg11: memref<5000x128xf32, #tpu.memory_space<vmem_shared>>, %arg12: memref<5120x128xf32, #tpu.memory_space<vmem_shared>>, %arg13: memref<!tpu.dma_semaphore, #tpu.memory_space<semaphore_mem>>, %arg14: memref<!tpu.dma_semaphore, #tpu.memory_space<semaphore_mem>>) attributes {dimension_semantics = [#tpu.dimension_semantics<core_parallel>, #tpu.dimension_semantics<subcore_parallel>], iteration_bounds = array<i64: 2, 16>, scalar_prefetch = 0 : i64, scratch_operands = 9 : i64, tpu.core_type = #tpu.core_type<sc_vector_subcore>, window_params = [{transform_indices = #map}, {transform_indices = #map}, {transform_indices = #map}, {transform_indices = #map}]} {
    %mul3A = arith.constant 5000 : i32
    %mul3A_0 = arith.muli %arg0, %mul3A : i32
    %scan3A = arith.constant 0 : i32
    %scan3A_1 = arith.constant 128 : i32
    %scan3A_2 = arith.addi %scan3A, %scan3A_1 : i32
    %scan3A_3 = arith.constant 1 : i32
    scf.for %scan3A_35 = %scan3A to %scan3A_2 step %scan3A_3  : i32 {
      %mul3A_36 = arith.constant 1 : i32
      %mul3A_37 = arith.muli %scan3A_35, %mul3A_36 : i32
      %add3A_38 = arith.constant 0 : i32
      %add3A_39 = arith.addi %add3A_38, %mul3A_37 : i32
      %scan3A_40 = arith.constant 0 : i32
      %scan3A_41 = arith.constant 8 : i32
      %scan3A_42 = arith.addi %scan3A_40, %scan3A_41 : i32
      %scan3A_43 = arith.constant 1 : i32
      scf.for %scan3A_45 = %scan3A_40 to %scan3A_42 step %scan3A_43  : i32 {
        %mul3A_46 = arith.constant 16 : i32
        %mul3A_47 = arith.muli %scan3A_45, %mul3A_46 : i32
        %add3A_48 = arith.constant 0 : i32
        %add3A_49 = arith.addi %add3A_48, %mul3A_47 : i32
        %broadcast_in_dim3A = arith.constant 0.000000e+00 : f32
        %broadcast_in_dim3A_50 = vector.broadcast %broadcast_in_dim3A : f32 to vector<16xf32>
        %swap3A = arith.index_cast %add3A_39 : i32 to index
        %swap3A_51 = arith.index_cast %add3A_49 : i32 to index
        %swap3A_52 = tpu.vector_load %arg9[%swap3A, %swap3A_51] {strides = array<i32>} : memref<128x128xf32, #tpu.memory_space<vmem>>, vector<1x16xf32>,
        %swap3A_53 = vector.shape_cast %swap3A_52 : vector<1x16xf32> to vector<16xf32>
        %swap3A_54 = vector.shape_cast %broadcast_in_dim3A_50 : vector<16xf32> to vector<1x16xf32>
        tpu.vector_store %arg9[%swap3A, %swap3A_51], %swap3A_54 {strides = array<i32>} : memref<128x128xf32, #tpu.memory_space<vmem>>, vector<1x16xf32>,
      }
      %scan3A_44 = arith.constant 8 : i32
    }
    %scan3A_4 = arith.constant 128 : i32
    %scan3A_5 = arith.constant 0 : i32
    %scan3A_6 = arith.constant 3 : i32
    %scan3A_7 = arith.addi %scan3A_5, %scan3A_6 : i32
    %scan3A_8 = arith.constant 1 : i32
    scf.for %scan3A_35 = %scan3A_5 to %scan3A_7 step %scan3A_8  : i32 {
      %mul3A_36 = arith.constant 128 : i32
      %mul3A_37 = arith.muli %scan3A_35, %mul3A_36 : i32
      %add3A_38 = arith.constant 0 : i32
      %add3A_39 = arith.addi %add3A_38, %mul3A_37 : i32
      %mul3A_40 = arith.constant 320 : i32
      %mul3A_41 = arith.muli %arg1, %mul3A_40 : i32
      %add3A_42 = arith.addi %mul3A_41, %add3A_39 : i32
      "tpu.region"() ({
        %run_scoped3A = tpu.sem_alloc : memref<!tpu.dma_semaphore, #tpu.memory_space<semaphore_mem>>
        %dma_start3A = arith.constant 0 : i32
        %dma_start3A_43 = tpu.memref_slice %arg12[%add3A_42, %dma_start3A] : memref<5120x128xf32, #tpu.memory_space<vmem_shared>> -> memref<128x128xf32, #tpu.memory_space<vmem_shared>>
        %dma_start3A_44 = arith.constant 0 : i32
        %dma_start3A_45 = tpu.memref_slice %arg12[%add3A_42, %dma_start3A_44] : memref<5120x128xf32, #tpu.memory_space<vmem_shared>> -> memref<128x128xf32, #tpu.memory_space<vmem_shared>>
        tpu.enqueue_dma source(%arg9 : memref<128x128xf32, #tpu.memory_space<vmem>>) target(%dma_start3A_45 : memref<128x128xf32, #tpu.memory_space<vmem_shared>>) target_semaphore(%run_scoped3A : memref<!tpu.dma_semaphore, #tpu.memory_space<semaphore_mem>>)
        %dma_wait3A = arith.constant 0 : i32
        %dma_wait3A_46 = tpu.memref_slice %arg12[%add3A_42, %dma_wait3A] : memref<5120x128xf32, #tpu.memory_space<vmem_shared>> -> memref<128x128xf32, #tpu.memory_space<vmem_shared>>
        %dma_wait3A_47 = arith.constant 0 : i32
        %dma_wait3A_48 = tpu.memref_slice %arg12[%add3A_42, %dma_wait3A_47] : memref<5120x128xf32, #tpu.memory_space<vmem_shared>> -> memref<128x128xf32, #tpu.memory_space<vmem_shared>>
        tpu.wait_dma2 semaphore(%run_scoped3A : memref<!tpu.dma_semaphore, #tpu.memory_space<semaphore_mem>>) src(%arg9 : memref<128x128xf32, #tpu.memory_space<vmem>>) dst(%dma_wait3A_48 : memref<128x128xf32, #tpu.memory_space<vmem_shared>>)
        tpu.yield
      }) : () -> ()
    }
    %scan3A_9 = arith.constant 3 : i32
    %mul3A_10 = arith.constant 320 : i32
    %mul3A_11 = arith.muli %arg1, %mul3A_10 : i32
    %add3A = arith.constant 256 : i32
    %add3A_12 = arith.addi %mul3A_11, %add3A : i32
    "tpu.region"() ({
      %run_scoped3A = tpu.sem_alloc : memref<!tpu.dma_semaphore, #tpu.memory_space<semaphore_mem>>
      %dma_start3A = arith.constant 0 : i32
      %dma_start3A_35 = arith.constant 0 : i32
      %dma_start3A_36 = tpu.memref_slice %arg9[%dma_start3A, %dma_start3A_35] : memref<128x128xf32, #tpu.memory_space<vmem>> -> memref<64x128xf32, #tpu.memory_space<vmem>>
      %dma_start3A_37 = arith.constant 0 : i32
      %dma_start3A_38 = tpu.memref_slice %arg12[%add3A_12, %dma_start3A_37] : memref<5120x128xf32, #tpu.memory_space<vmem_shared>> -> memref<64x128xf32, #tpu.memory_space<vmem_shared>>
      %dma_start3A_39 = arith.constant 0 : i32
      %dma_start3A_40 = tpu.memref_slice %arg12[%add3A_12, %dma_start3A_39] : memref<5120x128xf32, #tpu.memory_space<vmem_shared>> -> memref<64x128xf32, #tpu.memory_space<vmem_shared>>
      %dma_start3A_41 = arith.constant 0 : i32
      %dma_start3A_42 = arith.constant 0 : i32
      %dma_start3A_43 = tpu.memref_slice %arg9[%dma_start3A_41, %dma_start3A_42] : memref<128x128xf32, #tpu.memory_space<vmem>> -> memref<64x128xf32, #tpu.memory_space<vmem>>
      tpu.enqueue_dma source(%dma_start3A_43 : memref<64x128xf32, #tpu.memory_space<vmem>>) target(%dma_start3A_40 : memref<64x128xf32, #tpu.memory_space<vmem_shared>>) target_semaphore(%run_scoped3A : memref<!tpu.dma_semaphore, #tpu.memory_space<semaphore_mem>>)
      %dma_wait3A = arith.constant 0 : i32
      %dma_wait3A_44 = arith.constant 0 : i32
      %dma_wait3A_45 = tpu.memref_slice %arg9[%dma_wait3A, %dma_wait3A_44] : memref<128x128xf32, #tpu.memory_space<vmem>> -> memref<64x128xf32, #tpu.memory_space<vmem>>
      %dma_wait3A_46 = arith.constant 0 : i32
      %dma_wait3A_47 = tpu.memref_slice %arg12[%add3A_12, %dma_wait3A_46] : memref<5120x128xf32, #tpu.memory_space<vmem_shared>> -> memref<64x128xf32, #tpu.memory_space<vmem_shared>>
      %dma_wait3A_48 = arith.constant 0 : i32
      %dma_wait3A_49 = tpu.memref_slice %arg12[%add3A_12, %dma_wait3A_48] : memref<5120x128xf32, #tpu.memory_space<vmem_shared>> -> memref<64x128xf32, #tpu.memory_space<vmem_shared>>
      %dma_wait3A_50 = arith.constant 0 : i32
      %dma_wait3A_51 = arith.constant 0 : i32
      %dma_wait3A_52 = tpu.memref_slice %arg9[%dma_wait3A_50, %dma_wait3A_51] : memref<128x128xf32, #tpu.memory_space<vmem>> -> memref<64x128xf32, #tpu.memory_space<vmem>>
      tpu.wait_dma2 semaphore(%run_scoped3A : memref<!tpu.dma_semaphore, #tpu.memory_space<semaphore_mem>>) src(%dma_wait3A_52 : memref<64x128xf32, #tpu.memory_space<vmem>>) dst(%dma_wait3A_49 : memref<64x128xf32, #tpu.memory_space<vmem_shared>>)
      tpu.yield
    }) : () -> ()
    %lt3A = arith.constant 15 : i32
    %lt3A_13 = arith.cmpi slt, %arg1, %lt3A : i32
    %convert_element_type3A = arith.extui %lt3A_13 : i1 to i32
    %cond3A = arith.constant 0 : i32
    %cond3A_14 = arith.cmpi ne, %convert_element_type3A, %cond3A : i32
    scf.if %cond3A_14 {
      %mul3A_35 = arith.constant 312 : i32
      %mul3A_36 = arith.muli %arg1, %mul3A_35 : i32
      %mul3A_37 = arith.constant 312 : i32
      %mul3A_38 = arith.muli %arg1, %mul3A_37 : i32
      "tpu.region"() ({
        %run_scoped3A = tpu.sem_alloc : memref<!tpu.dma_semaphore, #tpu.memory_space<semaphore_mem>>
        %dma_start3A = arith.constant 0 : i32
        %dma_start3A_39 = tpu.memref_slice %arg11[%mul3A_38, %dma_start3A] : memref<5000x128xf32, #tpu.memory_space<vmem_shared>> -> memref<312x128xf32, #tpu.memory_space<vmem_shared>>
        %dma_start3A_40 = arith.constant 0 : i32
        %dma_start3A_41 = tpu.memref_slice %arg2[%mul3A_36, %dma_start3A_40] : memref<5000x128xf32, #tpu.memory_space<hbm>> -> memref<312x128xf32, #tpu.memory_space<hbm>>
        tpu.enqueue_dma source(%dma_start3A_41 : memref<312x128xf32, #tpu.memory_space<hbm>>) target(%dma_start3A_39 : memref<312x128xf32, #tpu.memory_space<vmem_shared>>) target_semaphore(%run_scoped3A : memref<!tpu.dma_semaphore, #tpu.memory_space<semaphore_mem>>)
        %dma_wait3A = arith.constant 0 : i32
        %dma_wait3A_42 = tpu.memref_slice %arg11[%mul3A_38, %dma_wait3A] : memref<5000x128xf32, #tpu.memory_space<vmem_shared>> -> memref<312x128xf32, #tpu.memory_space<vmem_shared>>
        %dma_wait3A_43 = arith.constant 0 : i32
        %dma_wait3A_44 = tpu.memref_slice %arg2[%mul3A_36, %dma_wait3A_43] : memref<5000x128xf32, #tpu.memory_space<hbm>> -> memref<312x128xf32, #tpu.memory_space<hbm>>
        tpu.wait_dma2 semaphore(%run_scoped3A : memref<!tpu.dma_semaphore, #tpu.memory_space<semaphore_mem>>) src(%dma_wait3A_44 : memref<312x128xf32, #tpu.memory_space<hbm>>) dst(%dma_wait3A_42 : memref<312x128xf32, #tpu.memory_space<vmem_shared>>)
        tpu.yield
      }) : () -> ()
    } else {
    }
    %eq3A = arith.constant 15 : i32
    %eq3A_15 = arith.cmpi eq, %arg1, %eq3A : i32
    %convert_element_type3A_16 = arith.extui %eq3A_15 : i1 to i32
    %cond3A_17 = arith.constant 0 : i32
    %cond3A_18 = arith.cmpi ne, %convert_element_type3A_16, %cond3A_17 : i32
    scf.if %cond3A_18 {
      "tpu.region"() ({
        %run_scoped3A = tpu.sem_alloc : memref<!tpu.dma_semaphore, #tpu.memory_space<semaphore_mem>>
        %dma_start3A = arith.constant 4680 : i32
        %dma_start3A_35 = arith.constant 0 : i32
        %dma_start3A_36 = tpu.memref_slice %arg11[%dma_start3A, %dma_start3A_35] : memref<5000x128xf32, #tpu.memory_space<vmem_shared>> -> memref<320x128xf32, #tpu.memory_space<vmem_shared>>
        %dma_start3A_37 = arith.constant 4680 : i32
        %dma_start3A_38 = arith.constant 0 : i32
        %dma_start3A_39 = tpu.memref_slice %arg2[%dma_start3A_37, %dma_start3A_38] : memref<5000x128xf32, #tpu.memory_space<hbm>> -> memref<320x128xf32, #tpu.memory_space<hbm>>
        tpu.enqueue_dma source(%dma_start3A_39 : memref<320x128xf32, #tpu.memory_space<hbm>>) target(%dma_start3A_36 : memref<320x128xf32, #tpu.memory_space<vmem_shared>>) target_semaphore(%run_scoped3A : memref<!tpu.dma_semaphore, #tpu.memory_space<semaphore_mem>>)
        %dma_wait3A = arith.constant 4680 : i32
        %dma_wait3A_40 = arith.constant 0 : i32
        %dma_wait3A_41 = tpu.memref_slice %arg11[%dma_wait3A, %dma_wait3A_40] : memref<5000x128xf32, #tpu.memory_space<vmem_shared>> -> memref<320x128xf32, #tpu.memory_space<vmem_shared>>
        %dma_wait3A_42 = arith.constant 4680 : i32
        %dma_wait3A_43 = arith.constant 0 : i32
        %dma_wait3A_44 = tpu.memref_slice %arg2[%dma_wait3A_42, %dma_wait3A_43] : memref<5000x128xf32, #tpu.memory_space<hbm>> -> memref<320x128xf32, #tpu.memory_space<hbm>>
        tpu.wait_dma2 semaphore(%run_scoped3A : memref<!tpu.dma_semaphore, #tpu.memory_space<semaphore_mem>>) src(%dma_wait3A_44 : memref<320x128xf32, #tpu.memory_space<hbm>>) dst(%dma_wait3A_41 : memref<320x128xf32, #tpu.memory_space<vmem_shared>>)
        tpu.yield
      }) : () -> ()
    } else {
    }
    %barrier3A = arith.constant 0 : index
    tpu.barrier barrier_id(%barrier3A)
    %iota3A = tpu.iota {dimensions = array<i32: 0>} : vector<16xi32>
    %add3A_19 = arith.constant 5000 : i32
    %add3A_20 = vector.broadcast %add3A_19 : i32 to vector<16xi32>
    %add3A_21 = arith.addi %iota3A, %add3A_20 : vector<16xi32>
    %scan3A_22 = arith.constant 0 : i32
    %scan3A_23 = arith.constant 4 : i32
    %scan3A_24 = arith.addi %scan3A_22, %scan3A_23 : i32
    %scan3A_25 = arith.constant 1 : i32
    scf.for %scan3A_35 = %scan3A_22 to %scan3A_24 step %scan3A_25  : i32 {
      %mul3A_36 = arith.constant 1 : i32
      %mul3A_37 = arith.muli %scan3A_35, %mul3A_36 : i32
      %add3A_38 = arith.constant 0 : i32
      %add3A_39 = arith.addi %add3A_38, %mul3A_37 : i32
      %mul3A_40 = arith.constant 160 : i32
      %mul3A_41 = arith.muli %arg1, %mul3A_40 : i32
      %mul3A_42 = arith.constant 40 : i32
      %mul3A_43 = arith.muli %add3A_39, %mul3A_42 : i32
      %add3A_44 = arith.addi %mul3A_41, %mul3A_43 : i32
      "tpu.region"() ({
        %run_scoped3A = tpu.sem_alloc : memref<!tpu.dma_semaphore, #tpu.memory_space<semaphore_mem>>
        %dma_start3A_454 = arith.constant 0 : i32
        %dma_start3A_455 = tpu.memref_slice %arg3[%add3A_44, %dma_start3A_454] : memref<2560x128xi32, #tpu.memory_space<hbm>> -> memref<40x128xi32, #tpu.memory_space<hbm>>
        %dma_start3A_456 = arith.constant 0 : i32
        %dma_start3A_457 = tpu.memref_slice %arg3[%add3A_44, %dma_start3A_456] : memref<2560x128xi32, #tpu.memory_space<hbm>> -> memref<40x128xi32, #tpu.memory_space<hbm>>
        tpu.enqueue_dma source(%dma_start3A_457 : memref<40x128xi32, #tpu.memory_space<hbm>>) target(%arg6 : memref<40x128xi32, #tpu.memory_space<vmem>>) target_semaphore(%run_scoped3A : memref<!tpu.dma_semaphore, #tpu.memory_space<semaphore_mem>>)
        %dma_wait3A_458 = arith.constant 0 : i32
        %dma_wait3A_459 = tpu.memref_slice %arg3[%add3A_44, %dma_wait3A_458] : memref<2560x128xi32, #tpu.memory_space<hbm>> -> memref<40x128xi32, #tpu.memory_space<hbm>>
        %dma_wait3A_460 = arith.constant 0 : i32
        %dma_wait3A_461 = tpu.memref_slice %arg3[%add3A_44, %dma_wait3A_460] : memref<2560x128xi32, #tpu.memory_space<hbm>> -> memref<40x128xi32, #tpu.memory_space<hbm>>
        tpu.wait_dma2 semaphore(%run_scoped3A : memref<!tpu.dma_semaphore, #tpu.memory_space<semaphore_mem>>) src(%dma_wait3A_461 : memref<40x128xi32, #tpu.memory_space<hbm>>) dst(%arg6 : memref<40x128xi32, #tpu.memory_space<vmem>>)
        tpu.yield
      }) : () -> ()
      "tpu.region"() ({
        %run_scoped3A = tpu.sem_alloc : memref<!tpu.dma_semaphore, #tpu.memory_space<semaphore_mem>>
        %dma_start3A_454 = arith.constant 0 : i32
        %dma_start3A_455 = tpu.memref_slice %arg4[%add3A_44, %dma_start3A_454] : memref<2560x128xi32, #tpu.memory_space<hbm>> -> memref<40x128xi32, #tpu.memory_space<hbm>>
        %dma_start3A_456 = arith.constant 0 : i32
        %dma_start3A_457 = tpu.memref_slice %arg4[%add3A_44, %dma_start3A_456] : memref<2560x128xi32, #tpu.memory_space<hbm>> -> memref<40x128xi32, #tpu.memory_space<hbm>>
        tpu.enqueue_dma source(%dma_start3A_457 : memref<40x128xi32, #tpu.memory_space<hbm>>) target(%arg7 : memref<40x128xi32, #tpu.memory_space<vmem>>) target_semaphore(%run_scoped3A : memref<!tpu.dma_semaphore, #tpu.memory_space<semaphore_mem>>)
        %dma_wait3A_458 = arith.constant 0 : i32
        %dma_wait3A_459 = tpu.memref_slice %arg4[%add3A_44, %dma_wait3A_458] : memref<2560x128xi32, #tpu.memory_space<hbm>> -> memref<40x128xi32, #tpu.memory_space<hbm>>
        %dma_wait3A_460 = arith.constant 0 : i32
        %dma_wait3A_461 = tpu.memref_slice %arg4[%add3A_44, %dma_wait3A_460] : memref<2560x128xi32, #tpu.memory_space<hbm>> -> memref<40x128xi32, #tpu.memory_space<hbm>>
        tpu.wait_dma2 semaphore(%run_scoped3A : memref<!tpu.dma_semaphore, #tpu.memory_space<semaphore_mem>>) src(%dma_wait3A_461 : memref<40x128xi32, #tpu.memory_space<hbm>>) dst(%arg7 : memref<40x128xi32, #tpu.memory_space<vmem>>)
        tpu.yield
      }) : () -> ()
      %dma_start3A = arith.constant 0 : i32
      %dma_start3A_45 = arith.constant 0 : i32
      %dma_start3A_46 = tpu.memref_slice %arg6[%dma_start3A, %dma_start3A_45] : memref<40x128xi32, #tpu.memory_space<vmem>> -> memref<1x128xi32, #tpu.memory_space<vmem>>
      %dma_start3A_47 = tpu.memref_squeeze %dma_start3A_46 : memref<1x128xi32, #tpu.memory_space<vmem>> -> memref<128xi32, #tpu.memory_space<vmem>>
      %dma_start3A_48 = arith.constant 0 : i32
      %dma_start3A_49 = arith.constant 0 : i32
      %dma_start3A_50 = tpu.memref_slice %arg11[%dma_start3A_48, %dma_start3A_49] : memref<5000x128xf32, #tpu.memory_space<vmem_shared>> -> memref<5000x128xf32, #tpu.memory_space<vmem_shared>>
      tpu.enqueue_indirect_dma source(%dma_start3A_50 : memref<5000x128xf32, #tpu.memory_space<vmem_shared>>) target(%arg9 : memref<128x128xf32, #tpu.memory_space<vmem>>) offsets(%dma_start3A_47 : memref<128xi32, #tpu.memory_space<vmem>>) semaphore(%arg13 : memref<!tpu.dma_semaphore, #tpu.memory_space<semaphore_mem>>)
      %scan3A_51 = arith.constant 0 : i32
      %scan3A_52 = arith.constant 19 : i32
      %scan3A_53 = arith.addi %scan3A_51, %scan3A_52 : i32
      %scan3A_54 = arith.constant 1 : i32
      scf.for %scan3A_454 = %scan3A_51 to %scan3A_53 step %scan3A_54  : i32 {
        %mul3A_455 = arith.constant 2 : i32
        %mul3A_456 = arith.muli %scan3A_454, %mul3A_455 : i32
        %add3A_457 = arith.constant 0 : i32
        %add3A_458 = arith.addi %add3A_457, %mul3A_456 : i32
        %add3A_459 = arith.constant 1 : i32
        %add3A_460 = arith.addi %add3A_458, %add3A_459 : i32
        %dma_start3A_461 = arith.constant 0 : i32
        %dma_start3A_462 = tpu.memref_slice %arg6[%add3A_460, %dma_start3A_461] : memref<40x128xi32, #tpu.memory_space<vmem>> -> memref<1x128xi32, #tpu.memory_space<vmem>>
        %dma_start3A_463 = tpu.memref_squeeze %dma_start3A_462 : memref<1x128xi32, #tpu.memory_space<vmem>> -> memref<128xi32, #tpu.memory_space<vmem>>
        %dma_start3A_464 = arith.constant 0 : i32
        %dma_start3A_465 = arith.constant 0 : i32
        %dma_start3A_466 = tpu.memref_slice %arg11[%dma_start3A_464, %dma_start3A_465] : memref<5000x128xf32, #tpu.memory_space<vmem_shared>> -> memref<5000x128xf32, #tpu.memory_space<vmem_shared>>
        tpu.enqueue_indirect_dma source(%dma_start3A_466 : memref<5000x128xf32, #tpu.memory_space<vmem_shared>>) target(%arg10 : memref<128x128xf32, #tpu.memory_space<vmem>>) offsets(%dma_start3A_463 : memref<128xi32, #tpu.memory_space<vmem>>) semaphore(%arg14 : memref<!tpu.dma_semaphore, #tpu.memory_space<semaphore_mem>>)
        %dma_wait3A_467 = arith.constant 0 : i32
        %dma_wait3A_468 = tpu.memref_slice %arg6[%add3A_458, %dma_wait3A_467] : memref<40x128xi32, #tpu.memory_space<vmem>> -> memref<1x128xi32, #tpu.memory_space<vmem>>
        %dma_wait3A_469 = tpu.memref_squeeze %dma_wait3A_468 : memref<1x128xi32, #tpu.memory_space<vmem>> -> memref<128xi32, #tpu.memory_space<vmem>>
        %dma_wait3A_470 = arith.constant 0 : i32
        %dma_wait3A_471 = arith.constant 0 : i32
        %dma_wait3A_472 = tpu.memref_slice %arg11[%dma_wait3A_470, %dma_wait3A_471] : memref<5000x128xf32, #tpu.memory_space<vmem_shared>> -> memref<5000x128xf32, #tpu.memory_space<vmem_shared>>
        tpu.wait_indirect_dma semaphore(%arg13 : memref<!tpu.dma_semaphore, #tpu.memory_space<semaphore_mem>>) src(%dma_wait3A_472 : memref<5000x128xf32, #tpu.memory_space<vmem_shared>>) dst(%arg9 : memref<128x128xf32, #tpu.memory_space<vmem>>)
        %get3A_473 = arith.constant 0 : i32
        %get3A_474 = tpu.memref_slice %arg7[%add3A_458, %get3A_473] : memref<40x128xi32, #tpu.memory_space<vmem>> -> memref<1x128xi32, #tpu.memory_space<vmem>>
        %get3A_475 = tpu.memref_squeeze %get3A_474 : memref<1x128xi32, #tpu.memory_space<vmem>> -> memref<128xi32, #tpu.memory_space<vmem>>
        %get3A_476 = arith.constant 0 : index
        %get3A_477 = tpu.vector_load %get3A_475[%get3A_476] {strides = array<i32>} : memref<128xi32, #tpu.memory_space<vmem>>, vector<16xi32>,
        %get3A_478 = vector.shape_cast %get3A_477 : vector<16xi32> to vector<16xi32>
        %sub3A_479 = vector.broadcast %mul3A_0 : i32 to vector<16xi32>
        %sub3A_480 = arith.subi %get3A_478, %sub3A_479 : vector<16xi32>
        %ge3A_481 = arith.constant 0 : i32
        %ge3A_482 = vector.broadcast %ge3A_481 : i32 to vector<16xi32>
        %ge3A_483 = arith.cmpi sge, %sub3A_480, %ge3A_482 : vector<16xi32>
        %lt3A_484 = arith.constant 5000 : i32
        %lt3A_485 = vector.broadcast %lt3A_484 : i32 to vector<16xi32>
        %lt3A_486 = arith.cmpi slt, %sub3A_480, %lt3A_485 : vector<16xi32>
        %and3A_487 = arith.andi %ge3A_483, %lt3A_486 : vector<16xi1>
        %add3A_488 = arith.constant 0 : i32
        %add3A_489 = vector.broadcast %add3A_488 : i32 to vector<16xi32>
        %add3A_490 = arith.addi %add3A_21, %add3A_489 : vector<16xi32>
        %select_n3A_491 = arith.select %and3A_487, %sub3A_480, %add3A_490 : vector<16xi1>, vector<16xi32>
        %swap3A_492 = arith.constant 0 : index
        %swap3A_493 = tpu.vector_load %arg8[%swap3A_492] {strides = array<i32>} : memref<128xi32, #tpu.memory_space<vmem>>, vector<16xi32>,
        %swap3A_494 = vector.shape_cast %swap3A_493 : vector<16xi32> to vector<16xi32>
        %swap3A_495 = vector.shape_cast %select_n3A_491 : vector<16xi32> to vector<16xi32>
        tpu.vector_store %arg8[%swap3A_492], %swap3A_495 {strides = array<i32>} : memref<128xi32, #tpu.memory_space<vmem>>, vector<16xi32>,
        %get3A_496 = arith.constant 0 : i32
        %get3A_497 = tpu.memref_slice %arg7[%add3A_458, %get3A_496] : memref<40x128xi32, #tpu.memory_space<vmem>> -> memref<1x128xi32, #tpu.memory_space<vmem>>
        %get3A_498 = tpu.memref_squeeze %get3A_497 : memref<1x128xi32, #tpu.memory_space<vmem>> -> memref<128xi32, #tpu.memory_space<vmem>>
        %get3A_499 = arith.constant 16 : index
        %get3A_500 = tpu.vector_load %get3A_498[%get3A_499] {strides = array<i32>} : memref<128xi32, #tpu.memory_space<vmem>>, vector<16xi32>,
        %get3A_501 = vector.shape_cast %get3A_500 : vector<16xi32> to vector<16xi32>
        %sub3A_502 = vector.broadcast %mul3A_0 : i32 to vector<16xi32>
        %sub3A_503 = arith.subi %get3A_501, %sub3A_502 : vector<16xi32>
        %ge3A_504 = arith.constant 0 : i32
        %ge3A_505 = vector.broadcast %ge3A_504 : i32 to vector<16xi32>
        %ge3A_506 = arith.cmpi sge, %sub3A_503, %ge3A_505 : vector<16xi32>
        %lt3A_507 = arith.constant 5000 : i32
        %lt3A_508 = vector.broadcast %lt3A_507 : i32 to vector<16xi32>
        %lt3A_509 = arith.cmpi slt, %sub3A_503, %lt3A_508 : vector<16xi32>
        %and3A_510 = arith.andi %ge3A_506, %lt3A_509 : vector<16xi1>
        %add3A_511 = arith.constant 16 : i32
        %add3A_512 = vector.broadcast %add3A_511 : i32 to vector<16xi32>
        %add3A_513 = arith.addi %add3A_21, %add3A_512 : vector<16xi32>
        %select_n3A_514 = arith.select %and3A_510, %sub3A_503, %add3A_513 : vector<16xi1>, vector<16xi32>
        %swap3A_515 = arith.constant 16 : index
        %swap3A_516 = tpu.vector_load %arg8[%swap3A_515] {strides = array<i32>} : memref<128xi32, #tpu.memory_space<vmem>>, vector<16xi32>,
        %swap3A_517 = vector.shape_cast %swap3A_516 : vector<16xi32> to vector<16xi32>
        %swap3A_518 = vector.shape_cast %select_n3A_514 : vector<16xi32> to vector<16xi32>
        tpu.vector_store %arg8[%swap3A_515], %swap3A_518 {strides = array<i32>} : memref<128xi32, #tpu.memory_space<vmem>>, vector<16xi32>,
        %get3A_519 = arith.constant 0 : i32
        %get3A_520 = tpu.memref_slice %arg7[%add3A_458, %get3A_519] : memref<40x128xi32, #tpu.memory_space<vmem>> -> memref<1x128xi32, #tpu.memory_space<vmem>>
        %get3A_521 = tpu.memref_squeeze %get3A_520 : memref<1x128xi32, #tpu.memory_space<vmem>> -> memref<128xi32, #tpu.memory_space<vmem>>
        %get3A_522 = arith.constant 32 : index
        %get3A_523 = tpu.vector_load %get3A_521[%get3A_522] {strides = array<i32>} : memref<128xi32, #tpu.memory_space<vmem>>, vector<16xi32>,
        %get3A_524 = vector.shape_cast %get3A_523 : vector<16xi32> to vector<16xi32>
        %sub3A_525 = vector.broadcast %mul3A_0 : i32 to vector<16xi32>
        %sub3A_526 = arith.subi %get3A_524, %sub3A_525 : vector<16xi32>
        %ge3A_527 = arith.constant 0 : i32
        %ge3A_528 = vector.broadcast %ge3A_527 : i32 to vector<16xi32>
        %ge3A_529 = arith.cmpi sge, %sub3A_526, %ge3A_528 : vector<16xi32>
        %lt3A_530 = arith.constant 5000 : i32
        %lt3A_531 = vector.broadcast %lt3A_530 : i32 to vector<16xi32>
        %lt3A_532 = arith.cmpi slt, %sub3A_526, %lt3A_531 : vector<16xi32>
        %and3A_533 = arith.andi %ge3A_529, %lt3A_532 : vector<16xi1>
        %add3A_534 = arith.constant 32 : i32
        %add3A_535 = vector.broadcast %add3A_534 : i32 to vector<16xi32>
        %add3A_536 = arith.addi %add3A_21, %add3A_535 : vector<16xi32>
        %select_n3A_537 = arith.select %and3A_533, %sub3A_526, %add3A_536 : vector<16xi1>, vector<16xi32>
        %swap3A_538 = arith.constant 32 : index
        %swap3A_539 = tpu.vector_load %arg8[%swap3A_538] {strides = array<i32>} : memref<128xi32, #tpu.memory_space<vmem>>, vector<16xi32>,
        %swap3A_540 = vector.shape_cast %swap3A_539 : vector<16xi32> to vector<16xi32>
        %swap3A_541 = vector.shape_cast %select_n3A_537 : vector<16xi32> to vector<16xi32>
        tpu.vector_store %arg8[%swap3A_538], %swap3A_541 {strides = array<i32>} : memref<128xi32, #tpu.memory_space<vmem>>, vector<16xi32>,
        %get3A_542 = arith.constant 0 : i32
        %get3A_543 = tpu.memref_slice %arg7[%add3A_458, %get3A_542] : memref<40x128xi32, #tpu.memory_space<vmem>> -> memref<1x128xi32, #tpu.memory_space<vmem>>
        %get3A_544 = tpu.memref_squeeze %get3A_543 : memref<1x128xi32, #tpu.memory_space<vmem>> -> memref<128xi32, #tpu.memory_space<vmem>>
        %get3A_545 = arith.constant 48 : index
        %get3A_546 = tpu.vector_load %get3A_544[%get3A_545] {strides = array<i32>} : memref<128xi32, #tpu.memory_space<vmem>>, vector<16xi32>,
        %get3A_547 = vector.shape_cast %get3A_546 : vector<16xi32> to vector<16xi32>
        %sub3A_548 = vector.broadcast %mul3A_0 : i32 to vector<16xi32>
        %sub3A_549 = arith.subi %get3A_547, %sub3A_548 : vector<16xi32>
        %ge3A_550 = arith.constant 0 : i32
        %ge3A_551 = vector.broadcast %ge3A_550 : i32 to vector<16xi32>
        %ge3A_552 = arith.cmpi sge, %sub3A_549, %ge3A_551 : vector<16xi32>
        %lt3A_553 = arith.constant 5000 : i32
        %lt3A_554 = vector.broadcast %lt3A_553 : i32 to vector<16xi32>
        %lt3A_555 = arith.cmpi slt, %sub3A_549, %lt3A_554 : vector<16xi32>
        %and3A_556 = arith.andi %ge3A_552, %lt3A_555 : vector<16xi1>
        %add3A_557 = arith.constant 48 : i32
        %add3A_558 = vector.broadcast %add3A_557 : i32 to vector<16xi32>
        %add3A_559 = arith.addi %add3A_21, %add3A_558 : vector<16xi32>
        %select_n3A_560 = arith.select %and3A_556, %sub3A_549, %add3A_559 : vector<16xi1>, vector<16xi32>
        %swap3A_561 = arith.constant 48 : index
        %swap3A_562 = tpu.vector_load %arg8[%swap3A_561] {strides = array<i32>} : memref<128xi32, #tpu.memory_space<vmem>>, vector<16xi32>,
        %swap3A_563 = vector.shape_cast %swap3A_562 : vector<16xi32> to vector<16xi32>
        %swap3A_564 = vector.shape_cast %select_n3A_560 : vector<16xi32> to vector<16xi32>
        tpu.vector_store %arg8[%swap3A_561], %swap3A_564 {strides = array<i32>} : memref<128xi32, #tpu.memory_space<vmem>>, vector<16xi32>,
        %get3A_565 = arith.constant 0 : i32
        %get3A_566 = tpu.memref_slice %arg7[%add3A_458, %get3A_565] : memref<40x128xi32, #tpu.memory_space<vmem>> -> memref<1x128xi32, #tpu.memory_space<vmem>>
        %get3A_567 = tpu.memref_squeeze %get3A_566 : memref<1x128xi32, #tpu.memory_space<vmem>> -> memref<128xi32, #tpu.memory_space<vmem>>
        %get3A_568 = arith.constant 64 : index
        %get3A_569 = tpu.vector_load %get3A_567[%get3A_568] {strides = array<i32>} : memref<128xi32, #tpu.memory_space<vmem>>, vector<16xi32>,
        %get3A_570 = vector.shape_cast %get3A_569 : vector<16xi32> to vector<16xi32>
        %sub3A_571 = vector.broadcast %mul3A_0 : i32 to vector<16xi32>
        %sub3A_572 = arith.subi %get3A_570, %sub3A_571 : vector<16xi32>
        %ge3A_573 = arith.constant 0 : i32
        %ge3A_574 = vector.broadcast %ge3A_573 : i32 to vector<16xi32>
        %ge3A_575 = arith.cmpi sge, %sub3A_572, %ge3A_574 : vector<16xi32>
        %lt3A_576 = arith.constant 5000 : i32
        %lt3A_577 = vector.broadcast %lt3A_576 : i32 to vector<16xi32>
        %lt3A_578 = arith.cmpi slt, %sub3A_572, %lt3A_577 : vector<16xi32>
        %and3A_579 = arith.andi %ge3A_575, %lt3A_578 : vector<16xi1>
        %add3A_580 = arith.constant 64 : i32
        %add3A_581 = vector.broadcast %add3A_580 : i32 to vector<16xi32>
        %add3A_582 = arith.addi %add3A_21, %add3A_581 : vector<16xi32>
        %select_n3A_583 = arith.select %and3A_579, %sub3A_572, %add3A_582 : vector<16xi1>, vector<16xi32>
        %swap3A_584 = arith.constant 64 : index
        %swap3A_585 = tpu.vector_load %arg8[%swap3A_584] {strides = array<i32>} : memref<128xi32, #tpu.memory_space<vmem>>, vector<16xi32>,
        %swap3A_586 = vector.shape_cast %swap3A_585 : vector<16xi32> to vector<16xi32>
        %swap3A_587 = vector.shape_cast %select_n3A_583 : vector<16xi32> to vector<16xi32>
        tpu.vector_store %arg8[%swap3A_584], %swap3A_587 {strides = array<i32>} : memref<128xi32, #tpu.memory_space<vmem>>, vector<16xi32>,
        %get3A_588 = arith.constant 0 : i32
        %get3A_589 = tpu.memref_slice %arg7[%add3A_458, %get3A_588] : memref<40x128xi32, #tpu.memory_space<vmem>> -> memref<1x128xi32, #tpu.memory_space<vmem>>
        %get3A_590 = tpu.memref_squeeze %get3A_589 : memref<1x128xi32, #tpu.memory_space<vmem>> -> memref<128xi32, #tpu.memory_space<vmem>>
        %get3A_591 = arith.constant 80 : index
        %get3A_592 = tpu.vector_load %get3A_590[%get3A_591] {strides = array<i32>} : memref<128xi32, #tpu.memory_space<vmem>>, vector<16xi32>,
        %get3A_593 = vector.shape_cast %get3A_592 : vector<16xi32> to vector<16xi32>
        %sub3A_594 = vector.broadcast %mul3A_0 : i32 to vector<16xi32>
        %sub3A_595 = arith.subi %get3A_593, %sub3A_594 : vector<16xi32>
        %ge3A_596 = arith.constant 0 : i32
        %ge3A_597 = vector.broadcast %ge3A_596 : i32 to vector<16xi32>
        %ge3A_598 = arith.cmpi sge, %sub3A_595, %ge3A_597 : vector<16xi32>
        %lt3A_599 = arith.constant 5000 : i32
        %lt3A_600 = vector.broadcast %lt3A_599 : i32 to vector<16xi32>
        %lt3A_601 = arith.cmpi slt, %sub3A_595, %lt3A_600 : vector<16xi32>
        %and3A_602 = arith.andi %ge3A_598, %lt3A_601 : vector<16xi1>
        %add3A_603 = arith.constant 80 : i32
        %add3A_604 = vector.broadcast %add3A_603 : i32 to vector<16xi32>
        %add3A_605 = arith.addi %add3A_21, %add3A_604 : vector<16xi32>
        %select_n3A_606 = arith.select %and3A_602, %sub3A_595, %add3A_605 : vector<16xi1>, vector<16xi32>
        %swap3A_607 = arith.constant 80 : index
        %swap3A_608 = tpu.vector_load %arg8[%swap3A_607] {strides = array<i32>} : memref<128xi32, #tpu.memory_space<vmem>>, vector<16xi32>,
        %swap3A_609 = vector.shape_cast %swap3A_608 : vector<16xi32> to vector<16xi32>
        %swap3A_610 = vector.shape_cast %select_n3A_606 : vector<16xi32> to vector<16xi32>
        tpu.vector_store %arg8[%swap3A_607], %swap3A_610 {strides = array<i32>} : memref<128xi32, #tpu.memory_space<vmem>>, vector<16xi32>,
        %get3A_611 = arith.constant 0 : i32
        %get3A_612 = tpu.memref_slice %arg7[%add3A_458, %get3A_611] : memref<40x128xi32, #tpu.memory_space<vmem>> -> memref<1x128xi32, #tpu.memory_space<vmem>>
        %get3A_613 = tpu.memref_squeeze %get3A_612 : memref<1x128xi32, #tpu.memory_space<vmem>> -> memref<128xi32, #tpu.memory_space<vmem>>
        %get3A_614 = arith.constant 96 : index
        %get3A_615 = tpu.vector_load %get3A_613[%get3A_614] {strides = array<i32>} : memref<128xi32, #tpu.memory_space<vmem>>, vector<16xi32>,
        %get3A_616 = vector.shape_cast %get3A_615 : vector<16xi32> to vector<16xi32>
        %sub3A_617 = vector.broadcast %mul3A_0 : i32 to vector<16xi32>
        %sub3A_618 = arith.subi %get3A_616, %sub3A_617 : vector<16xi32>
        %ge3A_619 = arith.constant 0 : i32
        %ge3A_620 = vector.broadcast %ge3A_619 : i32 to vector<16xi32>
        %ge3A_621 = arith.cmpi sge, %sub3A_618, %ge3A_620 : vector<16xi32>
        %lt3A_622 = arith.constant 5000 : i32
        %lt3A_623 = vector.broadcast %lt3A_622 : i32 to vector<16xi32>
        %lt3A_624 = arith.cmpi slt, %sub3A_618, %lt3A_623 : vector<16xi32>
        %and3A_625 = arith.andi %ge3A_621, %lt3A_624 : vector<16xi1>
        %add3A_626 = arith.constant 96 : i32
        %add3A_627 = vector.broadcast %add3A_626 : i32 to vector<16xi32>
        %add3A_628 = arith.addi %add3A_21, %add3A_627 : vector<16xi32>
        %select_n3A_629 = arith.select %and3A_625, %sub3A_618, %add3A_628 : vector<16xi1>, vector<16xi32>
        %swap3A_630 = arith.constant 96 : index
        %swap3A_631 = tpu.vector_load %arg8[%swap3A_630] {strides = array<i32>} : memref<128xi32, #tpu.memory_space<vmem>>, vector<16xi32>,
        %swap3A_632 = vector.shape_cast %swap3A_631 : vector<16xi32> to vector<16xi32>
        %swap3A_633 = vector.shape_cast %select_n3A_629 : vector<16xi32> to vector<16xi32>
        tpu.vector_store %arg8[%swap3A_630], %swap3A_633 {strides = array<i32>} : memref<128xi32, #tpu.memory_space<vmem>>, vector<16xi32>,
        %get3A_634 = arith.constant 0 : i32
        %get3A_635 = tpu.memref_slice %arg7[%add3A_458, %get3A_634] : memref<40x128xi32, #tpu.memory_space<vmem>> -> memref<1x128xi32, #tpu.memory_space<vmem>>
        %get3A_636 = tpu.memref_squeeze %get3A_635 : memref<1x128xi32, #tpu.memory_space<vmem>> -> memref<128xi32, #tpu.memory_space<vmem>>
        %get3A_637 = arith.constant 112 : index
        %get3A_638 = tpu.vector_load %get3A_636[%get3A_637] {strides = array<i32>} : memref<128xi32, #tpu.memory_space<vmem>>, vector<16xi32>,
        %get3A_639 = vector.shape_cast %get3A_638 : vector<16xi32> to vector<16xi32>
        %sub3A_640 = vector.broadcast %mul3A_0 : i32 to vector<16xi32>
        %sub3A_641 = arith.subi %get3A_639, %sub3A_640 : vector<16xi32>
        %ge3A_642 = arith.constant 0 : i32
        %ge3A_643 = vector.broadcast %ge3A_642 : i32 to vector<16xi32>
        %ge3A_644 = arith.cmpi sge, %sub3A_641, %ge3A_643 : vector<16xi32>
        %lt3A_645 = arith.constant 5000 : i32
        %lt3A_646 = vector.broadcast %lt3A_645 : i32 to vector<16xi32>
        %lt3A_647 = arith.cmpi slt, %sub3A_641, %lt3A_646 : vector<16xi32>
        %and3A_648 = arith.andi %ge3A_644, %lt3A_647 : vector<16xi1>
        %add3A_649 = arith.constant 0 : i32
        %add3A_650 = vector.broadcast %add3A_649 : i32 to vector<16xi32>
        %add3A_651 = arith.addi %add3A_21, %add3A_650 : vector<16xi32>
        %select_n3A_652 = arith.select %and3A_648, %sub3A_641, %add3A_651 : vector<16xi1>, vector<16xi32>
        %swap3A_653 = arith.constant 112 : index
        %swap3A_654 = tpu.vector_load %arg8[%swap3A_653] {strides = array<i32>} : memref<128xi32, #tpu.memory_space<vmem>>, vector<16xi32>,
        %swap3A_655 = vector.shape_cast %swap3A_654 : vector<16xi32> to vector<16xi32>
        %swap3A_656 = vector.shape_cast %select_n3A_652 : vector<16xi32> to vector<16xi32>
        tpu.vector_store %arg8[%swap3A_653], %swap3A_656 {strides = array<i32>} : memref<128xi32, #tpu.memory_space<vmem>>, vector<16xi32>,
        "tpu.region"() ({
          %run_scoped3A = tpu.sem_alloc : memref<!tpu.dma_semaphore, #tpu.memory_space<semaphore_mem>>
          %dma_start3A_859 = arith.constant 0 : i32
          %dma_start3A_860 = arith.constant 0 : i32
          %dma_start3A_861 = tpu.memref_slice %arg12[%dma_start3A_859, %dma_start3A_860] : memref<5120x128xf32, #tpu.memory_space<vmem_shared>> -> memref<5120x128xf32, #tpu.memory_space<vmem_shared>>
          tpu.enqueue_indirect_dma source(%arg9 : memref<128x128xf32, #tpu.memory_space<vmem>>) target(%dma_start3A_861 : memref<5120x128xf32, #tpu.memory_space<vmem_shared>>) offsets(%arg8 : memref<128xi32, #tpu.memory_space<vmem>>) semaphore(%run_scoped3A : memref<!tpu.dma_semaphore, #tpu.memory_space<semaphore_mem>>) {add = true}
          %dma_wait3A_862 = arith.constant 0 : i32
          %dma_wait3A_863 = arith.constant 0 : i32
          %dma_wait3A_864 = tpu.memref_slice %arg12[%dma_wait3A_862, %dma_wait3A_863] : memref<5120x128xf32, #tpu.memory_space<vmem_shared>> -> memref<5120x128xf32, #tpu.memory_space<vmem_shared>>
          tpu.wait_indirect_dma semaphore(%run_scoped3A : memref<!tpu.dma_semaphore, #tpu.memory_space<semaphore_mem>>) src(%arg9 : memref<128x128xf32, #tpu.memory_space<vmem>>) dst(%dma_wait3A_864 : memref<5120x128xf32, #tpu.memory_space<vmem_shared>>)
          tpu.yield
        }) : () -> ()
        %add3A_657 = arith.constant 2 : i32
        %add3A_658 = arith.addi %add3A_458, %add3A_657 : i32
        %dma_start3A_659 = arith.constant 0 : i32
        %dma_start3A_660 = tpu.memref_slice %arg6[%add3A_658, %dma_start3A_659] : memref<40x128xi32, #tpu.memory_space<vmem>> -> memref<1x128xi32, #tpu.memory_space<vmem>>
        %dma_start3A_661 = tpu.memref_squeeze %dma_start3A_660 : memref<1x128xi32, #tpu.memory_space<vmem>> -> memref<128xi32, #tpu.memory_space<vmem>>
        %dma_start3A_662 = arith.constant 0 : i32
        %dma_start3A_663 = arith.constant 0 : i32
        %dma_start3A_664 = tpu.memref_slice %arg11[%dma_start3A_662, %dma_start3A_663] : memref<5000x128xf32, #tpu.memory_space<vmem_shared>> -> memref<5000x128xf32, #tpu.memory_space<vmem_shared>>
        tpu.enqueue_indirect_dma source(%dma_start3A_664 : memref<5000x128xf32, #tpu.memory_space<vmem_shared>>) target(%arg9 : memref<128x128xf32, #tpu.memory_space<vmem>>) offsets(%dma_start3A_661 : memref<128xi32, #tpu.memory_space<vmem>>) semaphore(%arg13 : memref<!tpu.dma_semaphore, #tpu.memory_space<semaphore_mem>>)
        %add3A_665 = arith.constant 1 : i32
        %add3A_666 = arith.addi %add3A_458, %add3A_665 : i32
        %dma_wait3A_667 = arith.constant 0 : i32
        %dma_wait3A_668 = tpu.memref_slice %arg6[%add3A_666, %dma_wait3A_667] : memref<40x128xi32, #tpu.memory_space<vmem>> -> memref<1x128xi32, #tpu.memory_space<vmem>>
        %dma_wait3A_669 = tpu.memref_squeeze %dma_wait3A_668 : memref<1x128xi32, #tpu.memory_space<vmem>> -> memref<128xi32, #tpu.memory_space<vmem>>
        %dma_wait3A_670 = arith.constant 0 : i32
        %dma_wait3A_671 = arith.constant 0 : i32
        %dma_wait3A_672 = tpu.memref_slice %arg11[%dma_wait3A_670, %dma_wait3A_671] : memref<5000x128xf32, #tpu.memory_space<vmem_shared>> -> memref<5000x128xf32, #tpu.memory_space<vmem_shared>>
        tpu.wait_indirect_dma semaphore(%arg14 : memref<!tpu.dma_semaphore, #tpu.memory_space<semaphore_mem>>) src(%dma_wait3A_672 : memref<5000x128xf32, #tpu.memory_space<vmem_shared>>) dst(%arg10 : memref<128x128xf32, #tpu.memory_space<vmem>>)
        %add3A_673 = arith.constant 1 : i32
        %add3A_674 = arith.addi %add3A_458, %add3A_673 : i32
        %get3A_675 = arith.constant 0 : i32
        %get3A_676 = tpu.memref_slice %arg7[%add3A_674, %get3A_675] : memref<40x128xi32, #tpu.memory_space<vmem>> -> memref<1x128xi32, #tpu.memory_space<vmem>>
        %get3A_677 = tpu.memref_squeeze %get3A_676 : memref<1x128xi32, #tpu.memory_space<vmem>> -> memref<128xi32, #tpu.memory_space<vmem>>
        %get3A_678 = arith.constant 0 : index
        %get3A_679 = tpu.vector_load %get3A_677[%get3A_678] {strides = array<i32>} : memref<128xi32, #tpu.memory_space<vmem>>, vector<16xi32>,
        %get3A_680 = vector.shape_cast %get3A_679 : vector<16xi32> to vector<16xi32>
        %sub3A_681 = vector.broadcast %mul3A_0 : i32 to vector<16xi32>
        %sub3A_682 = arith.subi %get3A_680, %sub3A_681 : vector<16xi32>
        %ge3A_683 = arith.constant 0 : i32
        %ge3A_684 = vector.broadcast %ge3A_683 : i32 to vector<16xi32>
        %ge3A_685 = arith.cmpi sge, %sub3A_682, %ge3A_684 : vector<16xi32>
        %lt3A_686 = arith.constant 5000 : i32
        %lt3A_687 = vector.broadcast %lt3A_686 : i32 to vector<16xi32>
        %lt3A_688 = arith.cmpi slt, %sub3A_682, %lt3A_687 : vector<16xi32>
        %and3A_689 = arith.andi %ge3A_685, %lt3A_688 : vector<16xi1>
        %add3A_690 = arith.constant 0 : i32
        %add3A_691 = vector.broadcast %add3A_690 : i32 to vector<16xi32>
        %add3A_692 = arith.addi %add3A_21, %add3A_691 : vector<16xi32>
        %select_n3A_693 = arith.select %and3A_689, %sub3A_682, %add3A_692 : vector<16xi1>, vector<16xi32>
        %swap3A_694 = arith.constant 0 : index
        %swap3A_695 = tpu.vector_load %arg8[%swap3A_694] {strides = array<i32>} : memref<128xi32, #tpu.memory_space<vmem>>, vector<16xi32>,
        %swap3A_696 = vector.shape_cast %swap3A_695 : vector<16xi32> to vector<16xi32>
        %swap3A_697 = vector.shape_cast %select_n3A_693 : vector<16xi32> to vector<16xi32>
        tpu.vector_store %arg8[%swap3A_694], %swap3A_697 {strides = array<i32>} : memref<128xi32, #tpu.memory_space<vmem>>, vector<16xi32>,
        %get3A_698 = arith.constant 0 : i32
        %get3A_699 = tpu.memref_slice %arg7[%add3A_674, %get3A_698] : memref<40x128xi32, #tpu.memory_space<vmem>> -> memref<1x128xi32, #tpu.memory_space<vmem>>
        %get3A_700 = tpu.memref_squeeze %get3A_699 : memref<1x128xi32, #tpu.memory_space<vmem>> -> memref<128xi32, #tpu.memory_space<vmem>>
        %get3A_701 = arith.constant 16 : index
        %get3A_702 = tpu.vector_load %get3A_700[%get3A_701] {strides = array<i32>} : memref<128xi32, #tpu.memory_space<vmem>>, vector<16xi32>,
        %get3A_703 = vector.shape_cast %get3A_702 : vector<16xi32> to vector<16xi32>
        %sub3A_704 = vector.broadcast %mul3A_0 : i32 to vector<16xi32>
        %sub3A_705 = arith.subi %get3A_703, %sub3A_704 : vector<16xi32>
        %ge3A_706 = arith.constant 0 : i32
        %ge3A_707 = vector.broadcast %ge3A_706 : i32 to vector<16xi32>
        %ge3A_708 = arith.cmpi sge, %sub3A_705, %ge3A_707 : vector<16xi32>
        %lt3A_709 = arith.constant 5000 : i32
        %lt3A_710 = vector.broadcast %lt3A_709 : i32 to vector<16xi32>
        %lt3A_711 = arith.cmpi slt, %sub3A_705, %lt3A_710 : vector<16xi32>
        %and3A_712 = arith.andi %ge3A_708, %lt3A_711 : vector<16xi1>
        %add3A_713 = arith.constant 16 : i32
        %add3A_714 = vector.broadcast %add3A_713 : i32 to vector<16xi32>
        %add3A_715 = arith.addi %add3A_21, %add3A_714 : vector<16xi32>
        %select_n3A_716 = arith.select %and3A_712, %sub3A_705, %add3A_715 : vector<16xi1>, vector<16xi32>
        %swap3A_717 = arith.constant 16 : index
        %swap3A_718 = tpu.vector_load %arg8[%swap3A_717] {strides = array<i32>} : memref<128xi32, #tpu.memory_space<vmem>>, vector<16xi32>,
        %swap3A_719 = vector.shape_cast %swap3A_718 : vector<16xi32> to vector<16xi32>
        %swap3A_720 = vector.shape_cast %select_n3A_716 : vector<16xi32> to vector<16xi32>
        tpu.vector_store %arg8[%swap3A_717], %swap3A_720 {strides = array<i32>} : memref<128xi32, #tpu.memory_space<vmem>>, vector<16xi32>,
        %get3A_721 = arith.constant 0 : i32
        %get3A_722 = tpu.memref_slice %arg7[%add3A_674, %get3A_721] : memref<40x128xi32, #tpu.memory_space<vmem>> -> memref<1x128xi32, #tpu.memory_space<vmem>>
        %get3A_723 = tpu.memref_squeeze %get3A_722 : memref<1x128xi32, #tpu.memory_space<vmem>> -> memref<128xi32, #tpu.memory_space<vmem>>
        %get3A_724 = arith.constant 32 : index
        %get3A_725 = tpu.vector_load %get3A_723[%get3A_724] {strides = array<i32>} : memref<128xi32, #tpu.memory_space<vmem>>, vector<16xi32>,
        %get3A_726 = vector.shape_cast %get3A_725 : vector<16xi32> to vector<16xi32>
        %sub3A_727 = vector.broadcast %mul3A_0 : i32 to vector<16xi32>
        %sub3A_728 = arith.subi %get3A_726, %sub3A_727 : vector<16xi32>
        %ge3A_729 = arith.constant 0 : i32
        %ge3A_730 = vector.broadcast %ge3A_729 : i32 to vector<16xi32>
        %ge3A_731 = arith.cmpi sge, %sub3A_728, %ge3A_730 : vector<16xi32>
        %lt3A_732 = arith.constant 5000 : i32
        %lt3A_733 = vector.broadcast %lt3A_732 : i32 to vector<16xi32>
        %lt3A_734 = arith.cmpi slt, %sub3A_728, %lt3A_733 : vector<16xi32>
        %and3A_735 = arith.andi %ge3A_731, %lt3A_734 : vector<16xi1>
        %add3A_736 = arith.constant 32 : i32
        %add3A_737 = vector.broadcast %add3A_736 : i32 to vector<16xi32>
        %add3A_738 = arith.addi %add3A_21, %add3A_737 : vector<16xi32>
        %select_n3A_739 = arith.select %and3A_735, %sub3A_728, %add3A_738 : vector<16xi1>, vector<16xi32>
        %swap3A_740 = arith.constant 32 : index
        %swap3A_741 = tpu.vector_load %arg8[%swap3A_740] {strides = array<i32>} : memref<128xi32, #tpu.memory_space<vmem>>, vector<16xi32>,
        %swap3A_742 = vector.shape_cast %swap3A_741 : vector<16xi32> to vector<16xi32>
        %swap3A_743 = vector.shape_cast %select_n3A_739 : vector<16xi32> to vector<16xi32>
        tpu.vector_store %arg8[%swap3A_740], %swap3A_743 {strides = array<i32>} : memref<128xi32, #tpu.memory_space<vmem>>, vector<16xi32>,
        %get3A_744 = arith.constant 0 : i32
        %get3A_745 = tpu.memref_slice %arg7[%add3A_674, %get3A_744] : memref<40x128xi32, #tpu.memory_space<vmem>> -> memref<1x128xi32, #tpu.memory_space<vmem>>
        %get3A_746 = tpu.memref_squeeze %get3A_745 : memref<1x128xi32, #tpu.memory_space<vmem>> -> memref<128xi32, #tpu.memory_space<vmem>>
        %get3A_747 = arith.constant 48 : index
        %get3A_748 = tpu.vector_load %get3A_746[%get3A_747] {strides = array<i32>} : memref<128xi32, #tpu.memory_space<vmem>>, vector<16xi32>,
        %get3A_749 = vector.shape_cast %get3A_748 : vector<16xi32> to vector<16xi32>
        %sub3A_750 = vector.broadcast %mul3A_0 : i32 to vector<16xi32>
        %sub3A_751 = arith.subi %get3A_749, %sub3A_750 : vector<16xi32>
        %ge3A_752 = arith.constant 0 : i32
        %ge3A_753 = vector.broadcast %ge3A_752 : i32 to vector<16xi32>
        %ge3A_754 = arith.cmpi sge, %sub3A_751, %ge3A_753 : vector<16xi32>
        %lt3A_755 = arith.constant 5000 : i32
        %lt3A_756 = vector.broadcast %lt3A_755 : i32 to vector<16xi32>
        %lt3A_757 = arith.cmpi slt, %sub3A_751, %lt3A_756 : vector<16xi32>
        %and3A_758 = arith.andi %ge3A_754, %lt3A_757 : vector<16xi1>
        %add3A_759 = arith.constant 48 : i32
        %add3A_760 = vector.broadcast %add3A_759 : i32 to vector<16xi32>
        %add3A_761 = arith.addi %add3A_21, %add3A_760 : vector<16xi32>
        %select_n3A_762 = arith.select %and3A_758, %sub3A_751, %add3A_761 : vector<16xi1>, vector<16xi32>
        %swap3A_763 = arith.constant 48 : index
        %swap3A_764 = tpu.vector_load %arg8[%swap3A_763] {strides = array<i32>} : memref<128xi32, #tpu.memory_space<vmem>>, vector<16xi32>,
        %swap3A_765 = vector.shape_cast %swap3A_764 : vector<16xi32> to vector<16xi32>
        %swap3A_766 = vector.shape_cast %select_n3A_762 : vector<16xi32> to vector<16xi32>
        tpu.vector_store %arg8[%swap3A_763], %swap3A_766 {strides = array<i32>} : memref<128xi32, #tpu.memory_space<vmem>>, vector<16xi32>,
        %get3A_767 = arith.constant 0 : i32
        %get3A_768 = tpu.memref_slice %arg7[%add3A_674, %get3A_767] : memref<40x128xi32, #tpu.memory_space<vmem>> -> memref<1x128xi32, #tpu.memory_space<vmem>>
        %get3A_769 = tpu.memref_squeeze %get3A_768 : memref<1x128xi32, #tpu.memory_space<vmem>> -> memref<128xi32, #tpu.memory_space<vmem>>
        %get3A_770 = arith.constant 64 : index
        %get3A_771 = tpu.vector_load %get3A_769[%get3A_770] {strides = array<i32>} : memref<128xi32, #tpu.memory_space<vmem>>, vector<16xi32>,
        %get3A_772 = vector.shape_cast %get3A_771 : vector<16xi32> to vector<16xi32>
        %sub3A_773 = vector.broadcast %mul3A_0 : i32 to vector<16xi32>
        %sub3A_774 = arith.subi %get3A_772, %sub3A_773 : vector<16xi32>
        %ge3A_775 = arith.constant 0 : i32
        %ge3A_776 = vector.broadcast %ge3A_775 : i32 to vector<16xi32>
        %ge3A_777 = arith.cmpi sge, %sub3A_774, %ge3A_776 : vector<16xi32>
        %lt3A_778 = arith.constant 5000 : i32
        %lt3A_779 = vector.broadcast %lt3A_778 : i32 to vector<16xi32>
        %lt3A_780 = arith.cmpi slt, %sub3A_774, %lt3A_779 : vector<16xi32>
        %and3A_781 = arith.andi %ge3A_777, %lt3A_780 : vector<16xi1>
        %add3A_782 = arith.constant 64 : i32
        %add3A_783 = vector.broadcast %add3A_782 : i32 to vector<16xi32>
        %add3A_784 = arith.addi %add3A_21, %add3A_783 : vector<16xi32>
        %select_n3A_785 = arith.select %and3A_781, %sub3A_774, %add3A_784 : vector<16xi1>, vector<16xi32>
        %swap3A_786 = arith.constant 64 : index
        %swap3A_787 = tpu.vector_load %arg8[%swap3A_786] {strides = array<i32>} : memref<128xi32, #tpu.memory_space<vmem>>, vector<16xi32>,
        %swap3A_788 = vector.shape_cast %swap3A_787 : vector<16xi32> to vector<16xi32>
        %swap3A_789 = vector.shape_cast %select_n3A_785 : vector<16xi32> to vector<16xi32>
        tpu.vector_store %arg8[%swap3A_786], %swap3A_789 {strides = array<i32>} : memref<128xi32, #tpu.memory_space<vmem>>, vector<16xi32>,
        %get3A_790 = arith.constant 0 : i32
        %get3A_791 = tpu.memref_slice %arg7[%add3A_674, %get3A_790] : memref<40x128xi32, #tpu.memory_space<vmem>> -> memref<1x128xi32, #tpu.memory_space<vmem>>
        %get3A_792 = tpu.memref_squeeze %get3A_791 : memref<1x128xi32, #tpu.memory_space<vmem>> -> memref<128xi32, #tpu.memory_space<vmem>>
        %get3A_793 = arith.constant 80 : index
        %get3A_794 = tpu.vector_load %get3A_792[%get3A_793] {strides = array<i32>} : memref<128xi32, #tpu.memory_space<vmem>>, vector<16xi32>,
        %get3A_795 = vector.shape_cast %get3A_794 : vector<16xi32> to vector<16xi32>
        %sub3A_796 = vector.broadcast %mul3A_0 : i32 to vector<16xi32>
        %sub3A_797 = arith.subi %get3A_795, %sub3A_796 : vector<16xi32>
        %ge3A_798 = arith.constant 0 : i32
        %ge3A_799 = vector.broadcast %ge3A_798 : i32 to vector<16xi32>
        %ge3A_800 = arith.cmpi sge, %sub3A_797, %ge3A_799 : vector<16xi32>
        %lt3A_801 = arith.constant 5000 : i32
        %lt3A_802 = vector.broadcast %lt3A_801 : i32 to vector<16xi32>
        %lt3A_803 = arith.cmpi slt, %sub3A_797, %lt3A_802 : vector<16xi32>
        %and3A_804 = arith.andi %ge3A_800, %lt3A_803 : vector<16xi1>
        %add3A_805 = arith.constant 80 : i32
        %add3A_806 = vector.broadcast %add3A_805 : i32 to vector<16xi32>
        %add3A_807 = arith.addi %add3A_21, %add3A_806 : vector<16xi32>
        %select_n3A_808 = arith.select %and3A_804, %sub3A_797, %add3A_807 : vector<16xi1>, vector<16xi32>
        %swap3A_809 = arith.constant 80 : index
        %swap3A_810 = tpu.vector_load %arg8[%swap3A_809] {strides = array<i32>} : memref<128xi32, #tpu.memory_space<vmem>>, vector<16xi32>,
        %swap3A_811 = vector.shape_cast %swap3A_810 : vector<16xi32> to vector<16xi32>
        %swap3A_812 = vector.shape_cast %select_n3A_808 : vector<16xi32> to vector<16xi32>
        tpu.vector_store %arg8[%swap3A_809], %swap3A_812 {strides = array<i32>} : memref<128xi32, #tpu.memory_space<vmem>>, vector<16xi32>,
        %get3A_813 = arith.constant 0 : i32
        %get3A_814 = tpu.memref_slice %arg7[%add3A_674, %get3A_813] : memref<40x128xi32, #tpu.memory_space<vmem>> -> memref<1x128xi32, #tpu.memory_space<vmem>>
        %get3A_815 = tpu.memref_squeeze %get3A_814 : memref<1x128xi32, #tpu.memory_space<vmem>> -> memref<128xi32, #tpu.memory_space<vmem>>
        %get3A_816 = arith.constant 96 : index
        %get3A_817 = tpu.vector_load %get3A_815[%get3A_816] {strides = array<i32>} : memref<128xi32, #tpu.memory_space<vmem>>, vector<16xi32>,
        %get3A_818 = vector.shape_cast %get3A_817 : vector<16xi32> to vector<16xi32>
        %sub3A_819 = vector.broadcast %mul3A_0 : i32 to vector<16xi32>
        %sub3A_820 = arith.subi %get3A_818, %sub3A_819 : vector<16xi32>
        %ge3A_821 = arith.constant 0 : i32
        %ge3A_822 = vector.broadcast %ge3A_821 : i32 to vector<16xi32>
        %ge3A_823 = arith.cmpi sge, %sub3A_820, %ge3A_822 : vector<16xi32>
        %lt3A_824 = arith.constant 5000 : i32
        %lt3A_825 = vector.broadcast %lt3A_824 : i32 to vector<16xi32>
        %lt3A_826 = arith.cmpi slt, %sub3A_820, %lt3A_825 : vector<16xi32>
        %and3A_827 = arith.andi %ge3A_823, %lt3A_826 : vector<16xi1>
        %add3A_828 = arith.constant 96 : i32
        %add3A_829 = vector.broadcast %add3A_828 : i32 to vector<16xi32>
        %add3A_830 = arith.addi %add3A_21, %add3A_829 : vector<16xi32>
        %select_n3A_831 = arith.select %and3A_827, %sub3A_820, %add3A_830 : vector<16xi1>, vector<16xi32>
        %swap3A_832 = arith.constant 96 : index
        %swap3A_833 = tpu.vector_load %arg8[%swap3A_832] {strides = array<i32>} : memref<128xi32, #tpu.memory_space<vmem>>, vector<16xi32>,
        %swap3A_834 = vector.shape_cast %swap3A_833 : vector<16xi32> to vector<16xi32>
        %swap3A_835 = vector.shape_cast %select_n3A_831 : vector<16xi32> to vector<16xi32>
        tpu.vector_store %arg8[%swap3A_832], %swap3A_835 {strides = array<i32>} : memref<128xi32, #tpu.memory_space<vmem>>, vector<16xi32>,
        %get3A_836 = arith.constant 0 : i32
        %get3A_837 = tpu.memref_slice %arg7[%add3A_674, %get3A_836] : memref<40x128xi32, #tpu.memory_space<vmem>> -> memref<1x128xi32, #tpu.memory_space<vmem>>
        %get3A_838 = tpu.memref_squeeze %get3A_837 : memref<1x128xi32, #tpu.memory_space<vmem>> -> memref<128xi32, #tpu.memory_space<vmem>>
        %get3A_839 = arith.constant 112 : index
        %get3A_840 = tpu.vector_load %get3A_838[%get3A_839] {strides = array<i32>} : memref<128xi32, #tpu.memory_space<vmem>>, vector<16xi32>,
        %get3A_841 = vector.shape_cast %get3A_840 : vector<16xi32> to vector<16xi32>
        %sub3A_842 = vector.broadcast %mul3A_0 : i32 to vector<16xi32>
        %sub3A_843 = arith.subi %get3A_841, %sub3A_842 : vector<16xi32>
        %ge3A_844 = arith.constant 0 : i32
        %ge3A_845 = vector.broadcast %ge3A_844 : i32 to vector<16xi32>
        %ge3A_846 = arith.cmpi sge, %sub3A_843, %ge3A_845 : vector<16xi32>
        %lt3A_847 = arith.constant 5000 : i32
        %lt3A_848 = vector.broadcast %lt3A_847 : i32 to vector<16xi32>
        %lt3A_849 = arith.cmpi slt, %sub3A_843, %lt3A_848 : vector<16xi32>
        %and3A_850 = arith.andi %ge3A_846, %lt3A_849 : vector<16xi1>
        %add3A_851 = arith.constant 0 : i32
        %add3A_852 = vector.broadcast %add3A_851 : i32 to vector<16xi32>
        %add3A_853 = arith.addi %add3A_21, %add3A_852 : vector<16xi32>
        %select_n3A_854 = arith.select %and3A_850, %sub3A_843, %add3A_853 : vector<16xi1>, vector<16xi32>
        %swap3A_855 = arith.constant 112 : index
        %swap3A_856 = tpu.vector_load %arg8[%swap3A_855] {strides = array<i32>} : memref<128xi32, #tpu.memory_space<vmem>>, vector<16xi32>,
        %swap3A_857 = vector.shape_cast %swap3A_856 : vector<16xi32> to vector<16xi32>
        %swap3A_858 = vector.shape_cast %select_n3A_854 : vector<16xi32> to vector<16xi32>
        tpu.vector_store %arg8[%swap3A_855], %swap3A_858 {strides = array<i32>} : memref<128xi32, #tpu.memory_space<vmem>>, vector<16xi32>,
        "tpu.region"() ({
          %run_scoped3A = tpu.sem_alloc : memref<!tpu.dma_semaphore, #tpu.memory_space<semaphore_mem>>
          %dma_start3A_859 = arith.constant 0 : i32
          %dma_start3A_860 = arith.constant 0 : i32
          %dma_start3A_861 = tpu.memref_slice %arg12[%dma_start3A_859, %dma_start3A_860] : memref<5120x128xf32, #tpu.memory_space<vmem_shared>> -> memref<5120x128xf32, #tpu.memory_space<vmem_shared>>
          tpu.enqueue_indirect_dma source(%arg10 : memref<128x128xf32, #tpu.memory_space<vmem>>) target(%dma_start3A_861 : memref<5120x128xf32, #tpu.memory_space<vmem_shared>>) offsets(%arg8 : memref<128xi32, #tpu.memory_space<vmem>>) semaphore(%run_scoped3A : memref<!tpu.dma_semaphore, #tpu.memory_space<semaphore_mem>>) {add = true}
          %dma_wait3A_862 = arith.constant 0 : i32
          %dma_wait3A_863 = arith.constant 0 : i32
          %dma_wait3A_864 = tpu.memref_slice %arg12[%dma_wait3A_862, %dma_wait3A_863] : memref<5120x128xf32, #tpu.memory_space<vmem_shared>> -> memref<5120x128xf32, #tpu.memory_space<vmem_shared>>
          tpu.wait_indirect_dma semaphore(%run_scoped3A : memref<!tpu.dma_semaphore, #tpu.memory_space<semaphore_mem>>) src(%arg10 : memref<128x128xf32, #tpu.memory_space<vmem>>) dst(%dma_wait3A_864 : memref<5120x128xf32, #tpu.memory_space<vmem_shared>>)
          tpu.yield
        }) : () -> ()
      }
      %scan3A_55 = arith.constant 19 : i32
      %dma_start3A_56 = arith.constant 39 : i32
      %dma_start3A_57 = arith.constant 0 : i32
      %dma_start3A_58 = tpu.memref_slice %arg6[%dma_start3A_56, %dma_start3A_57] : memref<40x128xi32, #tpu.memory_space<vmem>> -> memref<1x128xi32, #tpu.memory_space<vmem>>
      %dma_start3A_59 = tpu.memref_squeeze %dma_start3A_58 : memref<1x128xi32, #tpu.memory_space<vmem>> -> memref<128xi32, #tpu.memory_space<vmem>>
      %dma_start3A_60 = arith.constant 0 : i32
      %dma_start3A_61 = arith.constant 0 : i32
      %dma_start3A_62 = tpu.memref_slice %arg11[%dma_start3A_60, %dma_start3A_61] : memref<5000x128xf32, #tpu.memory_space<vmem_shared>> -> memref<5000x128xf32, #tpu.memory_space<vmem_shared>>
      tpu.enqueue_indirect_dma source(%dma_start3A_62 : memref<5000x128xf32, #tpu.memory_space<vmem_shared>>) target(%arg10 : memref<128x128xf32, #tpu.memory_space<vmem>>) offsets(%dma_start3A_59 : memref<128xi32, #tpu.memory_space<vmem>>) semaphore(%arg14 : memref<!tpu.dma_semaphore, #tpu.memory_space<semaphore_mem>>)
      %dma_wait3A = arith.constant 38 : i32
      %dma_wait3A_63 = arith.constant 0 : i32
      %dma_wait3A_64 = tpu.memref_slice %arg6[%dma_wait3A, %dma_wait3A_63] : memref<40x128xi32, #tpu.memory_space<vmem>> -> memref<1x128xi32, #tpu.memory_space<vmem>>
      %dma_wait3A_65 = tpu.memref_squeeze %dma_wait3A_64 : memref<1x128xi32, #tpu.memory_space<vmem>> -> memref<128xi32, #tpu.memory_space<vmem>>
      %dma_wait3A_66 = arith.constant 0 : i32
      %dma_wait3A_67 = arith.constant 0 : i32
      %dma_wait3A_68 = tpu.memref_slice %arg11[%dma_wait3A_66, %dma_wait3A_67] : memref<5000x128xf32, #tpu.memory_space<vmem_shared>> -> memref<5000x128xf32, #tpu.memory_space<vmem_shared>>
      tpu.wait_indirect_dma semaphore(%arg13 : memref<!tpu.dma_semaphore, #tpu.memory_space<semaphore_mem>>) src(%dma_wait3A_68 : memref<5000x128xf32, #tpu.memory_space<vmem_shared>>) dst(%arg9 : memref<128x128xf32, #tpu.memory_space<vmem>>)
      %get3A = arith.constant 38 : i32
      %get3A_69 = arith.constant 0 : i32
      %get3A_70 = tpu.memref_slice %arg7[%get3A, %get3A_69] : memref<40x128xi32, #tpu.memory_space<vmem>> -> memref<1x128xi32, #tpu.memory_space<vmem>>
      %get3A_71 = tpu.memref_squeeze %get3A_70 : memref<1x128xi32, #tpu.memory_space<vmem>> -> memref<128xi32, #tpu.memory_space<vmem>>
      %get3A_72 = arith.constant 0 : index
      %get3A_73 = tpu.vector_load %get3A_71[%get3A_72] {strides = array<i32>} : memref<128xi32, #tpu.memory_space<vmem>>, vector<16xi32>,
      %get3A_74 = vector.shape_cast %get3A_73 : vector<16xi32> to vector<16xi32>
      %sub3A = vector.broadcast %mul3A_0 : i32 to vector<16xi32>
      %sub3A_75 = arith.subi %get3A_74, %sub3A : vector<16xi32>
      %ge3A = arith.constant 0 : i32
      %ge3A_76 = vector.broadcast %ge3A : i32 to vector<16xi32>
      %ge3A_77 = arith.cmpi sge, %sub3A_75, %ge3A_76 : vector<16xi32>
      %lt3A_78 = arith.constant 5000 : i32
      %lt3A_79 = vector.broadcast %lt3A_78 : i32 to vector<16xi32>
      %lt3A_80 = arith.cmpi slt, %sub3A_75, %lt3A_79 : vector<16xi32>
      %and3A = arith.andi %ge3A_77, %lt3A_80 : vector<16xi1>
      %add3A_81 = arith.constant 0 : i32
      %add3A_82 = vector.broadcast %add3A_81 : i32 to vector<16xi32>
      %add3A_83 = arith.addi %add3A_21, %add3A_82 : vector<16xi32>
      %select_n3A = arith.select %and3A, %sub3A_75, %add3A_83 : vector<16xi1>, vector<16xi32>
      %swap3A = arith.constant 0 : index
      %swap3A_84 = tpu.vector_load %arg8[%swap3A] {strides = array<i32>} : memref<128xi32, #tpu.memory_space<vmem>>, vector<16xi32>,
      %swap3A_85 = vector.shape_cast %swap3A_84 : vector<16xi32> to vector<16xi32>
      %swap3A_86 = vector.shape_cast %select_n3A : vector<16xi32> to vector<16xi32>
      tpu.vector_store %arg8[%swap3A], %swap3A_86 {strides = array<i32>} : memref<128xi32, #tpu.memory_space<vmem>>, vector<16xi32>,
      %get3A_87 = arith.constant 38 : i32
      %get3A_88 = arith.constant 0 : i32
      %get3A_89 = tpu.memref_slice %arg7[%get3A_87, %get3A_88] : memref<40x128xi32, #tpu.memory_space<vmem>> -> memref<1x128xi32, #tpu.memory_space<vmem>>
      %get3A_90 = tpu.memref_squeeze %get3A_89 : memref<1x128xi32, #tpu.memory_space<vmem>> -> memref<128xi32, #tpu.memory_space<vmem>>
      %get3A_91 = arith.constant 16 : index
      %get3A_92 = tpu.vector_load %get3A_90[%get3A_91] {strides = array<i32>} : memref<128xi32, #tpu.memory_space<vmem>>, vector<16xi32>,
      %get3A_93 = vector.shape_cast %get3A_92 : vector<16xi32> to vector<16xi32>
      %sub3A_94 = vector.broadcast %mul3A_0 : i32 to vector<16xi32>
      %sub3A_95 = arith.subi %get3A_93, %sub3A_94 : vector<16xi32>
      %ge3A_96 = arith.constant 0 : i32
      %ge3A_97 = vector.broadcast %ge3A_96 : i32 to vector<16xi32>
      %ge3A_98 = arith.cmpi sge, %sub3A_95, %ge3A_97 : vector<16xi32>
      %lt3A_99 = arith.constant 5000 : i32
      %lt3A_100 = vector.broadcast %lt3A_99 : i32 to vector<16xi32>
      %lt3A_101 = arith.cmpi slt, %sub3A_95, %lt3A_100 : vector<16xi32>
      %and3A_102 = arith.andi %ge3A_98, %lt3A_101 : vector<16xi1>
      %add3A_103 = arith.constant 16 : i32
      %add3A_104 = vector.broadcast %add3A_103 : i32 to vector<16xi32>
      %add3A_105 = arith.addi %add3A_21, %add3A_104 : vector<16xi32>
      %select_n3A_106 = arith.select %and3A_102, %sub3A_95, %add3A_105 : vector<16xi1>, vector<16xi32>
      %swap3A_107 = arith.constant 16 : index
      %swap3A_108 = tpu.vector_load %arg8[%swap3A_107] {strides = array<i32>} : memref<128xi32, #tpu.memory_space<vmem>>, vector<16xi32>,
      %swap3A_109 = vector.shape_cast %swap3A_108 : vector<16xi32> to vector<16xi32>
      %swap3A_110 = vector.shape_cast %select_n3A_106 : vector<16xi32> to vector<16xi32>
      tpu.vector_store %arg8[%swap3A_107], %swap3A_110 {strides = array<i32>} : memref<128xi32, #tpu.memory_space<vmem>>, vector<16xi32>,
      %get3A_111 = arith.constant 38 : i32
      %get3A_112 = arith.constant 0 : i32
      %get3A_113 = tpu.memref_slice %arg7[%get3A_111, %get3A_112] : memref<40x128xi32, #tpu.memory_space<vmem>> -> memref<1x128xi32, #tpu.memory_space<vmem>>
      %get3A_114 = tpu.memref_squeeze %get3A_113 : memref<1x128xi32, #tpu.memory_space<vmem>> -> memref<128xi32, #tpu.memory_space<vmem>>
      %get3A_115 = arith.constant 32 : index
      %get3A_116 = tpu.vector_load %get3A_114[%get3A_115] {strides = array<i32>} : memref<128xi32, #tpu.memory_space<vmem>>, vector<16xi32>,
      %get3A_117 = vector.shape_cast %get3A_116 : vector<16xi32> to vector<16xi32>
      %sub3A_118 = vector.broadcast %mul3A_0 : i32 to vector<16xi32>
      %sub3A_119 = arith.subi %get3A_117, %sub3A_118 : vector<16xi32>
      %ge3A_120 = arith.constant 0 : i32
      %ge3A_121 = vector.broadcast %ge3A_120 : i32 to vector<16xi32>
      %ge3A_122 = arith.cmpi sge, %sub3A_119, %ge3A_121 : vector<16xi32>
      %lt3A_123 = arith.constant 5000 : i32
      %lt3A_124 = vector.broadcast %lt3A_123 : i32 to vector<16xi32>
      %lt3A_125 = arith.cmpi slt, %sub3A_119, %lt3A_124 : vector<16xi32>
      %and3A_126 = arith.andi %ge3A_122, %lt3A_125 : vector<16xi1>
      %add3A_127 = arith.constant 32 : i32
      %add3A_128 = vector.broadcast %add3A_127 : i32 to vector<16xi32>
      %add3A_129 = arith.addi %add3A_21, %add3A_128 : vector<16xi32>
      %select_n3A_130 = arith.select %and3A_126, %sub3A_119, %add3A_129 : vector<16xi1>, vector<16xi32>
      %swap3A_131 = arith.constant 32 : index
      %swap3A_132 = tpu.vector_load %arg8[%swap3A_131] {strides = array<i32>} : memref<128xi32, #tpu.memory_space<vmem>>, vector<16xi32>,
      %swap3A_133 = vector.shape_cast %swap3A_132 : vector<16xi32> to vector<16xi32>
      %swap3A_134 = vector.shape_cast %select_n3A_130 : vector<16xi32> to vector<16xi32>
      tpu.vector_store %arg8[%swap3A_131], %swap3A_134 {strides = array<i32>} : memref<128xi32, #tpu.memory_space<vmem>>, vector<16xi32>,
      %get3A_135 = arith.constant 38 : i32
      %get3A_136 = arith.constant 0 : i32
      %get3A_137 = tpu.memref_slice %arg7[%get3A_135, %get3A_136] : memref<40x128xi32, #tpu.memory_space<vmem>> -> memref<1x128xi32, #tpu.memory_space<vmem>>
      %get3A_138 = tpu.memref_squeeze %get3A_137 : memref<1x128xi32, #tpu.memory_space<vmem>> -> memref<128xi32, #tpu.memory_space<vmem>>
      %get3A_139 = arith.constant 48 : index
      %get3A_140 = tpu.vector_load %get3A_138[%get3A_139] {strides = array<i32>} : memref<128xi32, #tpu.memory_space<vmem>>, vector<16xi32>,
      %get3A_141 = vector.shape_cast %get3A_140 : vector<16xi32> to vector<16xi32>
      %sub3A_142 = vector.broadcast %mul3A_0 : i32 to vector<16xi32>
      %sub3A_143 = arith.subi %get3A_141, %sub3A_142 : vector<16xi32>
      %ge3A_144 = arith.constant 0 : i32
      %ge3A_145 = vector.broadcast %ge3A_144 : i32 to vector<16xi32>
      %ge3A_146 = arith.cmpi sge, %sub3A_143, %ge3A_145 : vector<16xi32>
      %lt3A_147 = arith.constant 5000 : i32
      %lt3A_148 = vector.broadcast %lt3A_147 : i32 to vector<16xi32>
      %lt3A_149 = arith.cmpi slt, %sub3A_143, %lt3A_148 : vector<16xi32>
      %and3A_150 = arith.andi %ge3A_146, %lt3A_149 : vector<16xi1>
      %add3A_151 = arith.constant 48 : i32
      %add3A_152 = vector.broadcast %add3A_151 : i32 to vector<16xi32>
      %add3A_153 = arith.addi %add3A_21, %add3A_152 : vector<16xi32>
      %select_n3A_154 = arith.select %and3A_150, %sub3A_143, %add3A_153 : vector<16xi1>, vector<16xi32>
      %swap3A_155 = arith.constant 48 : index
      %swap3A_156 = tpu.vector_load %arg8[%swap3A_155] {strides = array<i32>} : memref<128xi32, #tpu.memory_space<vmem>>, vector<16xi32>,
      %swap3A_157 = vector.shape_cast %swap3A_156 : vector<16xi32> to vector<16xi32>
      %swap3A_158 = vector.shape_cast %select_n3A_154 : vector<16xi32> to vector<16xi32>
      tpu.vector_store %arg8[%swap3A_155], %swap3A_158 {strides = array<i32>} : memref<128xi32, #tpu.memory_space<vmem>>, vector<16xi32>,
      %get3A_159 = arith.constant 38 : i32
      %get3A_160 = arith.constant 0 : i32
      %get3A_161 = tpu.memref_slice %arg7[%get3A_159, %get3A_160] : memref<40x128xi32, #tpu.memory_space<vmem>> -> memref<1x128xi32, #tpu.memory_space<vmem>>
      %get3A_162 = tpu.memref_squeeze %get3A_161 : memref<1x128xi32, #tpu.memory_space<vmem>> -> memref<128xi32, #tpu.memory_space<vmem>>
      %get3A_163 = arith.constant 64 : index
      %get3A_164 = tpu.vector_load %get3A_162[%get3A_163] {strides = array<i32>} : memref<128xi32, #tpu.memory_space<vmem>>, vector<16xi32>,
      %get3A_165 = vector.shape_cast %get3A_164 : vector<16xi32> to vector<16xi32>
      %sub3A_166 = vector.broadcast %mul3A_0 : i32 to vector<16xi32>
      %sub3A_167 = arith.subi %get3A_165, %sub3A_166 : vector<16xi32>
      %ge3A_168 = arith.constant 0 : i32
      %ge3A_169 = vector.broadcast %ge3A_168 : i32 to vector<16xi32>
      %ge3A_170 = arith.cmpi sge, %sub3A_167, %ge3A_169 : vector<16xi32>
      %lt3A_171 = arith.constant 5000 : i32
      %lt3A_172 = vector.broadcast %lt3A_171 : i32 to vector<16xi32>
      %lt3A_173 = arith.cmpi slt, %sub3A_167, %lt3A_172 : vector<16xi32>
      %and3A_174 = arith.andi %ge3A_170, %lt3A_173 : vector<16xi1>
      %add3A_175 = arith.constant 64 : i32
      %add3A_176 = vector.broadcast %add3A_175 : i32 to vector<16xi32>
      %add3A_177 = arith.addi %add3A_21, %add3A_176 : vector<16xi32>
      %select_n3A_178 = arith.select %and3A_174, %sub3A_167, %add3A_177 : vector<16xi1>, vector<16xi32>
      %swap3A_179 = arith.constant 64 : index
      %swap3A_180 = tpu.vector_load %arg8[%swap3A_179] {strides = array<i32>} : memref<128xi32, #tpu.memory_space<vmem>>, vector<16xi32>,
      %swap3A_181 = vector.shape_cast %swap3A_180 : vector<16xi32> to vector<16xi32>
      %swap3A_182 = vector.shape_cast %select_n3A_178 : vector<16xi32> to vector<16xi32>
      tpu.vector_store %arg8[%swap3A_179], %swap3A_182 {strides = array<i32>} : memref<128xi32, #tpu.memory_space<vmem>>, vector<16xi32>,
      %get3A_183 = arith.constant 38 : i32
      %get3A_184 = arith.constant 0 : i32
      %get3A_185 = tpu.memref_slice %arg7[%get3A_183, %get3A_184] : memref<40x128xi32, #tpu.memory_space<vmem>> -> memref<1x128xi32, #tpu.memory_space<vmem>>
      %get3A_186 = tpu.memref_squeeze %get3A_185 : memref<1x128xi32, #tpu.memory_space<vmem>> -> memref<128xi32, #tpu.memory_space<vmem>>
      %get3A_187 = arith.constant 80 : index
      %get3A_188 = tpu.vector_load %get3A_186[%get3A_187] {strides = array<i32>} : memref<128xi32, #tpu.memory_space<vmem>>, vector<16xi32>,
      %get3A_189 = vector.shape_cast %get3A_188 : vector<16xi32> to vector<16xi32>
      %sub3A_190 = vector.broadcast %mul3A_0 : i32 to vector<16xi32>
      %sub3A_191 = arith.subi %get3A_189, %sub3A_190 : vector<16xi32>
      %ge3A_192 = arith.constant 0 : i32
      %ge3A_193 = vector.broadcast %ge3A_192 : i32 to vector<16xi32>
      %ge3A_194 = arith.cmpi sge, %sub3A_191, %ge3A_193 : vector<16xi32>
      %lt3A_195 = arith.constant 5000 : i32
      %lt3A_196 = vector.broadcast %lt3A_195 : i32 to vector<16xi32>
      %lt3A_197 = arith.cmpi slt, %sub3A_191, %lt3A_196 : vector<16xi32>
      %and3A_198 = arith.andi %ge3A_194, %lt3A_197 : vector<16xi1>
      %add3A_199 = arith.constant 80 : i32
      %add3A_200 = vector.broadcast %add3A_199 : i32 to vector<16xi32>
      %add3A_201 = arith.addi %add3A_21, %add3A_200 : vector<16xi32>
      %select_n3A_202 = arith.select %and3A_198, %sub3A_191, %add3A_201 : vector<16xi1>, vector<16xi32>
      %swap3A_203 = arith.constant 80 : index
      %swap3A_204 = tpu.vector_load %arg8[%swap3A_203] {strides = array<i32>} : memref<128xi32, #tpu.memory_space<vmem>>, vector<16xi32>,
      %swap3A_205 = vector.shape_cast %swap3A_204 : vector<16xi32> to vector<16xi32>
      %swap3A_206 = vector.shape_cast %select_n3A_202 : vector<16xi32> to vector<16xi32>
      tpu.vector_store %arg8[%swap3A_203], %swap3A_206 {strides = array<i32>} : memref<128xi32, #tpu.memory_space<vmem>>, vector<16xi32>,
      %get3A_207 = arith.constant 38 : i32
      %get3A_208 = arith.constant 0 : i32
      %get3A_209 = tpu.memref_slice %arg7[%get3A_207, %get3A_208] : memref<40x128xi32, #tpu.memory_space<vmem>> -> memref<1x128xi32, #tpu.memory_space<vmem>>
      %get3A_210 = tpu.memref_squeeze %get3A_209 : memref<1x128xi32, #tpu.memory_space<vmem>> -> memref<128xi32, #tpu.memory_space<vmem>>
      %get3A_211 = arith.constant 96 : index
      %get3A_212 = tpu.vector_load %get3A_210[%get3A_211] {strides = array<i32>} : memref<128xi32, #tpu.memory_space<vmem>>, vector<16xi32>,
      %get3A_213 = vector.shape_cast %get3A_212 : vector<16xi32> to vector<16xi32>
      %sub3A_214 = vector.broadcast %mul3A_0 : i32 to vector<16xi32>
      %sub3A_215 = arith.subi %get3A_213, %sub3A_214 : vector<16xi32>
      %ge3A_216 = arith.constant 0 : i32
      %ge3A_217 = vector.broadcast %ge3A_216 : i32 to vector<16xi32>
      %ge3A_218 = arith.cmpi sge, %sub3A_215, %ge3A_217 : vector<16xi32>
      %lt3A_219 = arith.constant 5000 : i32
      %lt3A_220 = vector.broadcast %lt3A_219 : i32 to vector<16xi32>
      %lt3A_221 = arith.cmpi slt, %sub3A_215, %lt3A_220 : vector<16xi32>
      %and3A_222 = arith.andi %ge3A_218, %lt3A_221 : vector<16xi1>
      %add3A_223 = arith.constant 96 : i32
      %add3A_224 = vector.broadcast %add3A_223 : i32 to vector<16xi32>
      %add3A_225 = arith.addi %add3A_21, %add3A_224 : vector<16xi32>
      %select_n3A_226 = arith.select %and3A_222, %sub3A_215, %add3A_225 : vector<16xi1>, vector<16xi32>
      %swap3A_227 = arith.constant 96 : index
      %swap3A_228 = tpu.vector_load %arg8[%swap3A_227] {strides = array<i32>} : memref<128xi32, #tpu.memory_space<vmem>>, vector<16xi32>,
      %swap3A_229 = vector.shape_cast %swap3A_228 : vector<16xi32> to vector<16xi32>
      %swap3A_230 = vector.shape_cast %select_n3A_226 : vector<16xi32> to vector<16xi32>
      tpu.vector_store %arg8[%swap3A_227], %swap3A_230 {strides = array<i32>} : memref<128xi32, #tpu.memory_space<vmem>>, vector<16xi32>,
      %get3A_231 = arith.constant 38 : i32
      %get3A_232 = arith.constant 0 : i32
      %get3A_233 = tpu.memref_slice %arg7[%get3A_231, %get3A_232] : memref<40x128xi32, #tpu.memory_space<vmem>> -> memref<1x128xi32, #tpu.memory_space<vmem>>
      %get3A_234 = tpu.memref_squeeze %get3A_233 : memref<1x128xi32, #tpu.memory_space<vmem>> -> memref<128xi32, #tpu.memory_space<vmem>>
      %get3A_235 = arith.constant 112 : index
      %get3A_236 = tpu.vector_load %get3A_234[%get3A_235] {strides = array<i32>} : memref<128xi32, #tpu.memory_space<vmem>>, vector<16xi32>,
      %get3A_237 = vector.shape_cast %get3A_236 : vector<16xi32> to vector<16xi32>
      %sub3A_238 = vector.broadcast %mul3A_0 : i32 to vector<16xi32>
      %sub3A_239 = arith.subi %get3A_237, %sub3A_238 : vector<16xi32>
      %ge3A_240 = arith.constant 0 : i32
      %ge3A_241 = vector.broadcast %ge3A_240 : i32 to vector<16xi32>
      %ge3A_242 = arith.cmpi sge, %sub3A_239, %ge3A_241 : vector<16xi32>
      %lt3A_243 = arith.constant 5000 : i32
      %lt3A_244 = vector.broadcast %lt3A_243 : i32 to vector<16xi32>
      %lt3A_245 = arith.cmpi slt, %sub3A_239, %lt3A_244 : vector<16xi32>
      %and3A_246 = arith.andi %ge3A_242, %lt3A_245 : vector<16xi1>
      %add3A_247 = arith.constant 0 : i32
      %add3A_248 = vector.broadcast %add3A_247 : i32 to vector<16xi32>
      %add3A_249 = arith.addi %add3A_21, %add3A_248 : vector<16xi32>
      %select_n3A_250 = arith.select %and3A_246, %sub3A_239, %add3A_249 : vector<16xi1>, vector<16xi32>
      %swap3A_251 = arith.constant 112 : index
      %swap3A_252 = tpu.vector_load %arg8[%swap3A_251] {strides = array<i32>} : memref<128xi32, #tpu.memory_space<vmem>>, vector<16xi32>,
      %swap3A_253 = vector.shape_cast %swap3A_252 : vector<16xi32> to vector<16xi32>
      %swap3A_254 = vector.shape_cast %select_n3A_250 : vector<16xi32> to vector<16xi32>
      tpu.vector_store %arg8[%swap3A_251], %swap3A_254 {strides = array<i32>} : memref<128xi32, #tpu.memory_space<vmem>>, vector<16xi32>,
      "tpu.region"() ({
        %run_scoped3A = tpu.sem_alloc : memref<!tpu.dma_semaphore, #tpu.memory_space<semaphore_mem>>
        %dma_start3A_454 = arith.constant 0 : i32
        %dma_start3A_455 = arith.constant 0 : i32
        %dma_start3A_456 = tpu.memref_slice %arg12[%dma_start3A_454, %dma_start3A_455] : memref<5120x128xf32, #tpu.memory_space<vmem_shared>> -> memref<5120x128xf32, #tpu.memory_space<vmem_shared>>
        tpu.enqueue_indirect_dma source(%arg9 : memref<128x128xf32, #tpu.memory_space<vmem>>) target(%dma_start3A_456 : memref<5120x128xf32, #tpu.memory_space<vmem_shared>>) offsets(%arg8 : memref<128xi32, #tpu.memory_space<vmem>>) semaphore(%run_scoped3A : memref<!tpu.dma_semaphore, #tpu.memory_space<semaphore_mem>>) {add = true}
        %dma_wait3A_457 = arith.constant 0 : i32
        %dma_wait3A_458 = arith.constant 0 : i32
        %dma_wait3A_459 = tpu.memref_slice %arg12[%dma_wait3A_457, %dma_wait3A_458] : memref<5120x128xf32, #tpu.memory_space<vmem_shared>> -> memref<5120x128xf32, #tpu.memory_space<vmem_shared>>
        tpu.wait_indirect_dma semaphore(%run_scoped3A : memref<!tpu.dma_semaphore, #tpu.memory_space<semaphore_mem>>) src(%arg9 : memref<128x128xf32, #tpu.memory_space<vmem>>) dst(%dma_wait3A_459 : memref<5120x128xf32, #tpu.memory_space<vmem_shared>>)
        tpu.yield
      }) : () -> ()
      %dma_wait3A_255 = arith.constant 39 : i32
      %dma_wait3A_256 = arith.constant 0 : i32
      %dma_wait3A_257 = tpu.memref_slice %arg6[%dma_wait3A_255, %dma_wait3A_256] : memref<40x128xi32, #tpu.memory_space<vmem>> -> memref<1x128xi32, #tpu.memory_space<vmem>>
      %dma_wait3A_258 = tpu.memref_squeeze %dma_wait3A_257 : memref<1x128xi32, #tpu.memory_space<vmem>> -> memref<128xi32, #tpu.memory_space<vmem>>
      %dma_wait3A_259 = arith.constant 0 : i32
      %dma_wait3A_260 = arith.constant 0 : i32
      %dma_wait3A_261 = tpu.memref_slice %arg11[%dma_wait3A_259, %dma_wait3A_260] : memref<5000x128xf32, #tpu.memory_space<vmem_shared>> -> memref<5000x128xf32, #tpu.memory_space<vmem_shared>>
      tpu.wait_indirect_dma semaphore(%arg14 : memref<!tpu.dma_semaphore, #tpu.memory_space<semaphore_mem>>) src(%dma_wait3A_261 : memref<5000x128xf32, #tpu.memory_space<vmem_shared>>) dst(%arg10 : memref<128x128xf32, #tpu.memory_space<vmem>>)
      %get3A_262 = arith.constant 39 : i32
      %get3A_263 = arith.constant 0 : i32
      %get3A_264 = tpu.memref_slice %arg7[%get3A_262, %get3A_263] : memref<40x128xi32, #tpu.memory_space<vmem>> -> memref<1x128xi32, #tpu.memory_space<vmem>>
      %get3A_265 = tpu.memref_squeeze %get3A_264 : memref<1x128xi32, #tpu.memory_space<vmem>> -> memref<128xi32, #tpu.memory_space<vmem>>
      %get3A_266 = arith.constant 0 : index
      %get3A_267 = tpu.vector_load %get3A_265[%get3A_266] {strides = array<i32>} : memref<128xi32, #tpu.memory_space<vmem>>, vector<16xi32>,
      %get3A_268 = vector.shape_cast %get3A_267 : vector<16xi32> to vector<16xi32>
      %sub3A_269 = vector.broadcast %mul3A_0 : i32 to vector<16xi32>
      %sub3A_270 = arith.subi %get3A_268, %sub3A_269 : vector<16xi32>
      %ge3A_271 = arith.constant 0 : i32
      %ge3A_272 = vector.broadcast %ge3A_271 : i32 to vector<16xi32>
      %ge3A_273 = arith.cmpi sge, %sub3A_270, %ge3A_272 : vector<16xi32>
      %lt3A_274 = arith.constant 5000 : i32
      %lt3A_275 = vector.broadcast %lt3A_274 : i32 to vector<16xi32>
      %lt3A_276 = arith.cmpi slt, %sub3A_270, %lt3A_275 : vector<16xi32>
      %and3A_277 = arith.andi %ge3A_273, %lt3A_276 : vector<16xi1>
      %add3A_278 = arith.constant 0 : i32
      %add3A_279 = vector.broadcast %add3A_278 : i32 to vector<16xi32>
      %add3A_280 = arith.addi %add3A_21, %add3A_279 : vector<16xi32>
      %select_n3A_281 = arith.select %and3A_277, %sub3A_270, %add3A_280 : vector<16xi1>, vector<16xi32>
      %swap3A_282 = arith.constant 0 : index
      %swap3A_283 = tpu.vector_load %arg8[%swap3A_282] {strides = array<i32>} : memref<128xi32, #tpu.memory_space<vmem>>, vector<16xi32>,
      %swap3A_284 = vector.shape_cast %swap3A_283 : vector<16xi32> to vector<16xi32>
      %swap3A_285 = vector.shape_cast %select_n3A_281 : vector<16xi32> to vector<16xi32>
      tpu.vector_store %arg8[%swap3A_282], %swap3A_285 {strides = array<i32>} : memref<128xi32, #tpu.memory_space<vmem>>, vector<16xi32>,
      %get3A_286 = arith.constant 39 : i32
      %get3A_287 = arith.constant 0 : i32
      %get3A_288 = tpu.memref_slice %arg7[%get3A_286, %get3A_287] : memref<40x128xi32, #tpu.memory_space<vmem>> -> memref<1x128xi32, #tpu.memory_space<vmem>>
      %get3A_289 = tpu.memref_squeeze %get3A_288 : memref<1x128xi32, #tpu.memory_space<vmem>> -> memref<128xi32, #tpu.memory_space<vmem>>
      %get3A_290 = arith.constant 16 : index
      %get3A_291 = tpu.vector_load %get3A_289[%get3A_290] {strides = array<i32>} : memref<128xi32, #tpu.memory_space<vmem>>, vector<16xi32>,
      %get3A_292 = vector.shape_cast %get3A_291 : vector<16xi32> to vector<16xi32>
      %sub3A_293 = vector.broadcast %mul3A_0 : i32 to vector<16xi32>
      %sub3A_294 = arith.subi %get3A_292, %sub3A_293 : vector<16xi32>
      %ge3A_295 = arith.constant 0 : i32
      %ge3A_296 = vector.broadcast %ge3A_295 : i32 to vector<16xi32>
      %ge3A_297 = arith.cmpi sge, %sub3A_294, %ge3A_296 : vector<16xi32>
      %lt3A_298 = arith.constant 5000 : i32
      %lt3A_299 = vector.broadcast %lt3A_298 : i32 to vector<16xi32>
      %lt3A_300 = arith.cmpi slt, %sub3A_294, %lt3A_299 : vector<16xi32>
      %and3A_301 = arith.andi %ge3A_297, %lt3A_300 : vector<16xi1>
      %add3A_302 = arith.constant 16 : i32
      %add3A_303 = vector.broadcast %add3A_302 : i32 to vector<16xi32>
      %add3A_304 = arith.addi %add3A_21, %add3A_303 : vector<16xi32>
      %select_n3A_305 = arith.select %and3A_301, %sub3A_294, %add3A_304 : vector<16xi1>, vector<16xi32>
      %swap3A_306 = arith.constant 16 : index
      %swap3A_307 = tpu.vector_load %arg8[%swap3A_306] {strides = array<i32>} : memref<128xi32, #tpu.memory_space<vmem>>, vector<16xi32>,
      %swap3A_308 = vector.shape_cast %swap3A_307 : vector<16xi32> to vector<16xi32>
      %swap3A_309 = vector.shape_cast %select_n3A_305 : vector<16xi32> to vector<16xi32>
      tpu.vector_store %arg8[%swap3A_306], %swap3A_309 {strides = array<i32>} : memref<128xi32, #tpu.memory_space<vmem>>, vector<16xi32>,
      %get3A_310 = arith.constant 39 : i32
      %get3A_311 = arith.constant 0 : i32
      %get3A_312 = tpu.memref_slice %arg7[%get3A_310, %get3A_311] : memref<40x128xi32, #tpu.memory_space<vmem>> -> memref<1x128xi32, #tpu.memory_space<vmem>>
      %get3A_313 = tpu.memref_squeeze %get3A_312 : memref<1x128xi32, #tpu.memory_space<vmem>> -> memref<128xi32, #tpu.memory_space<vmem>>
      %get3A_314 = arith.constant 32 : index
      %get3A_315 = tpu.vector_load %get3A_313[%get3A_314] {strides = array<i32>} : memref<128xi32, #tpu.memory_space<vmem>>, vector<16xi32>,
      %get3A_316 = vector.shape_cast %get3A_315 : vector<16xi32> to vector<16xi32>
      %sub3A_317 = vector.broadcast %mul3A_0 : i32 to vector<16xi32>
      %sub3A_318 = arith.subi %get3A_316, %sub3A_317 : vector<16xi32>
      %ge3A_319 = arith.constant 0 : i32
      %ge3A_320 = vector.broadcast %ge3A_319 : i32 to vector<16xi32>
      %ge3A_321 = arith.cmpi sge, %sub3A_318, %ge3A_320 : vector<16xi32>
      %lt3A_322 = arith.constant 5000 : i32
      %lt3A_323 = vector.broadcast %lt3A_322 : i32 to vector<16xi32>
      %lt3A_324 = arith.cmpi slt, %sub3A_318, %lt3A_323 : vector<16xi32>
      %and3A_325 = arith.andi %ge3A_321, %lt3A_324 : vector<16xi1>
      %add3A_326 = arith.constant 32 : i32
      %add3A_327 = vector.broadcast %add3A_326 : i32 to vector<16xi32>
      %add3A_328 = arith.addi %add3A_21, %add3A_327 : vector<16xi32>
      %select_n3A_329 = arith.select %and3A_325, %sub3A_318, %add3A_328 : vector<16xi1>, vector<16xi32>
      %swap3A_330 = arith.constant 32 : index
      %swap3A_331 = tpu.vector_load %arg8[%swap3A_330] {strides = array<i32>} : memref<128xi32, #tpu.memory_space<vmem>>, vector<16xi32>,
      %swap3A_332 = vector.shape_cast %swap3A_331 : vector<16xi32> to vector<16xi32>
      %swap3A_333 = vector.shape_cast %select_n3A_329 : vector<16xi32> to vector<16xi32>
      tpu.vector_store %arg8[%swap3A_330], %swap3A_333 {strides = array<i32>} : memref<128xi32, #tpu.memory_space<vmem>>, vector<16xi32>,
      %get3A_334 = arith.constant 39 : i32
      %get3A_335 = arith.constant 0 : i32
      %get3A_336 = tpu.memref_slice %arg7[%get3A_334, %get3A_335] : memref<40x128xi32, #tpu.memory_space<vmem>> -> memref<1x128xi32, #tpu.memory_space<vmem>>
      %get3A_337 = tpu.memref_squeeze %get3A_336 : memref<1x128xi32, #tpu.memory_space<vmem>> -> memref<128xi32, #tpu.memory_space<vmem>>
      %get3A_338 = arith.constant 48 : index
      %get3A_339 = tpu.vector_load %get3A_337[%get3A_338] {strides = array<i32>} : memref<128xi32, #tpu.memory_space<vmem>>, vector<16xi32>,
      %get3A_340 = vector.shape_cast %get3A_339 : vector<16xi32> to vector<16xi32>
      %sub3A_341 = vector.broadcast %mul3A_0 : i32 to vector<16xi32>
      %sub3A_342 = arith.subi %get3A_340, %sub3A_341 : vector<16xi32>
      %ge3A_343 = arith.constant 0 : i32
      %ge3A_344 = vector.broadcast %ge3A_343 : i32 to vector<16xi32>
      %ge3A_345 = arith.cmpi sge, %sub3A_342, %ge3A_344 : vector<16xi32>
      %lt3A_346 = arith.constant 5000 : i32
      %lt3A_347 = vector.broadcast %lt3A_346 : i32 to vector<16xi32>
      %lt3A_348 = arith.cmpi slt, %sub3A_342, %lt3A_347 : vector<16xi32>
      %and3A_349 = arith.andi %ge3A_345, %lt3A_348 : vector<16xi1>
      %add3A_350 = arith.constant 48 : i32
      %add3A_351 = vector.broadcast %add3A_350 : i32 to vector<16xi32>
      %add3A_352 = arith.addi %add3A_21, %add3A_351 : vector<16xi32>
      %select_n3A_353 = arith.select %and3A_349, %sub3A_342, %add3A_352 : vector<16xi1>, vector<16xi32>
      %swap3A_354 = arith.constant 48 : index
      %swap3A_355 = tpu.vector_load %arg8[%swap3A_354] {strides = array<i32>} : memref<128xi32, #tpu.memory_space<vmem>>, vector<16xi32>,
      %swap3A_356 = vector.shape_cast %swap3A_355 : vector<16xi32> to vector<16xi32>
      %swap3A_357 = vector.shape_cast %select_n3A_353 : vector<16xi32> to vector<16xi32>
      tpu.vector_store %arg8[%swap3A_354], %swap3A_357 {strides = array<i32>} : memref<128xi32, #tpu.memory_space<vmem>>, vector<16xi32>,
      %get3A_358 = arith.constant 39 : i32
      %get3A_359 = arith.constant 0 : i32
      %get3A_360 = tpu.memref_slice %arg7[%get3A_358, %get3A_359] : memref<40x128xi32, #tpu.memory_space<vmem>> -> memref<1x128xi32, #tpu.memory_space<vmem>>
      %get3A_361 = tpu.memref_squeeze %get3A_360 : memref<1x128xi32, #tpu.memory_space<vmem>> -> memref<128xi32, #tpu.memory_space<vmem>>
      %get3A_362 = arith.constant 64 : index
      %get3A_363 = tpu.vector_load %get3A_361[%get3A_362] {strides = array<i32>} : memref<128xi32, #tpu.memory_space<vmem>>, vector<16xi32>,
      %get3A_364 = vector.shape_cast %get3A_363 : vector<16xi32> to vector<16xi32>
      %sub3A_365 = vector.broadcast %mul3A_0 : i32 to vector<16xi32>
      %sub3A_366 = arith.subi %get3A_364, %sub3A_365 : vector<16xi32>
      %ge3A_367 = arith.constant 0 : i32
      %ge3A_368 = vector.broadcast %ge3A_367 : i32 to vector<16xi32>
      %ge3A_369 = arith.cmpi sge, %sub3A_366, %ge3A_368 : vector<16xi32>
      %lt3A_370 = arith.constant 5000 : i32
      %lt3A_371 = vector.broadcast %lt3A_370 : i32 to vector<16xi32>
      %lt3A_372 = arith.cmpi slt, %sub3A_366, %lt3A_371 : vector<16xi32>
      %and3A_373 = arith.andi %ge3A_369, %lt3A_372 : vector<16xi1>
      %add3A_374 = arith.constant 64 : i32
      %add3A_375 = vector.broadcast %add3A_374 : i32 to vector<16xi32>
      %add3A_376 = arith.addi %add3A_21, %add3A_375 : vector<16xi32>
      %select_n3A_377 = arith.select %and3A_373, %sub3A_366, %add3A_376 : vector<16xi1>, vector<16xi32>
      %swap3A_378 = arith.constant 64 : index
      %swap3A_379 = tpu.vector_load %arg8[%swap3A_378] {strides = array<i32>} : memref<128xi32, #tpu.memory_space<vmem>>, vector<16xi32>,
      %swap3A_380 = vector.shape_cast %swap3A_379 : vector<16xi32> to vector<16xi32>
      %swap3A_381 = vector.shape_cast %select_n3A_377 : vector<16xi32> to vector<16xi32>
      tpu.vector_store %arg8[%swap3A_378], %swap3A_381 {strides = array<i32>} : memref<128xi32, #tpu.memory_space<vmem>>, vector<16xi32>,
      %get3A_382 = arith.constant 39 : i32
      %get3A_383 = arith.constant 0 : i32
      %get3A_384 = tpu.memref_slice %arg7[%get3A_382, %get3A_383] : memref<40x128xi32, #tpu.memory_space<vmem>> -> memref<1x128xi32, #tpu.memory_space<vmem>>
      %get3A_385 = tpu.memref_squeeze %get3A_384 : memref<1x128xi32, #tpu.memory_space<vmem>> -> memref<128xi32, #tpu.memory_space<vmem>>
      %get3A_386 = arith.constant 80 : index
      %get3A_387 = tpu.vector_load %get3A_385[%get3A_386] {strides = array<i32>} : memref<128xi32, #tpu.memory_space<vmem>>, vector<16xi32>,
      %get3A_388 = vector.shape_cast %get3A_387 : vector<16xi32> to vector<16xi32>
      %sub3A_389 = vector.broadcast %mul3A_0 : i32 to vector<16xi32>
      %sub3A_390 = arith.subi %get3A_388, %sub3A_389 : vector<16xi32>
      %ge3A_391 = arith.constant 0 : i32
      %ge3A_392 = vector.broadcast %ge3A_391 : i32 to vector<16xi32>
      %ge3A_393 = arith.cmpi sge, %sub3A_390, %ge3A_392 : vector<16xi32>
      %lt3A_394 = arith.constant 5000 : i32
      %lt3A_395 = vector.broadcast %lt3A_394 : i32 to vector<16xi32>
      %lt3A_396 = arith.cmpi slt, %sub3A_390, %lt3A_395 : vector<16xi32>
      %and3A_397 = arith.andi %ge3A_393, %lt3A_396 : vector<16xi1>
      %add3A_398 = arith.constant 80 : i32
      %add3A_399 = vector.broadcast %add3A_398 : i32 to vector<16xi32>
      %add3A_400 = arith.addi %add3A_21, %add3A_399 : vector<16xi32>
      %select_n3A_401 = arith.select %and3A_397, %sub3A_390, %add3A_400 : vector<16xi1>, vector<16xi32>
      %swap3A_402 = arith.constant 80 : index
      %swap3A_403 = tpu.vector_load %arg8[%swap3A_402] {strides = array<i32>} : memref<128xi32, #tpu.memory_space<vmem>>, vector<16xi32>,
      %swap3A_404 = vector.shape_cast %swap3A_403 : vector<16xi32> to vector<16xi32>
      %swap3A_405 = vector.shape_cast %select_n3A_401 : vector<16xi32> to vector<16xi32>
      tpu.vector_store %arg8[%swap3A_402], %swap3A_405 {strides = array<i32>} : memref<128xi32, #tpu.memory_space<vmem>>, vector<16xi32>,
      %get3A_406 = arith.constant 39 : i32
      %get3A_407 = arith.constant 0 : i32
      %get3A_408 = tpu.memref_slice %arg7[%get3A_406, %get3A_407] : memref<40x128xi32, #tpu.memory_space<vmem>> -> memref<1x128xi32, #tpu.memory_space<vmem>>
      %get3A_409 = tpu.memref_squeeze %get3A_408 : memref<1x128xi32, #tpu.memory_space<vmem>> -> memref<128xi32, #tpu.memory_space<vmem>>
      %get3A_410 = arith.constant 96 : index
      %get3A_411 = tpu.vector_load %get3A_409[%get3A_410] {strides = array<i32>} : memref<128xi32, #tpu.memory_space<vmem>>, vector<16xi32>,
      %get3A_412 = vector.shape_cast %get3A_411 : vector<16xi32> to vector<16xi32>
      %sub3A_413 = vector.broadcast %mul3A_0 : i32 to vector<16xi32>
      %sub3A_414 = arith.subi %get3A_412, %sub3A_413 : vector<16xi32>
      %ge3A_415 = arith.constant 0 : i32
      %ge3A_416 = vector.broadcast %ge3A_415 : i32 to vector<16xi32>
      %ge3A_417 = arith.cmpi sge, %sub3A_414, %ge3A_416 : vector<16xi32>
      %lt3A_418 = arith.constant 5000 : i32
      %lt3A_419 = vector.broadcast %lt3A_418 : i32 to vector<16xi32>
      %lt3A_420 = arith.cmpi slt, %sub3A_414, %lt3A_419 : vector<16xi32>
      %and3A_421 = arith.andi %ge3A_417, %lt3A_420 : vector<16xi1>
      %add3A_422 = arith.constant 96 : i32
      %add3A_423 = vector.broadcast %add3A_422 : i32 to vector<16xi32>
      %add3A_424 = arith.addi %add3A_21, %add3A_423 : vector<16xi32>
      %select_n3A_425 = arith.select %and3A_421, %sub3A_414, %add3A_424 : vector<16xi1>, vector<16xi32>
      %swap3A_426 = arith.constant 96 : index
      %swap3A_427 = tpu.vector_load %arg8[%swap3A_426] {strides = array<i32>} : memref<128xi32, #tpu.memory_space<vmem>>, vector<16xi32>,
      %swap3A_428 = vector.shape_cast %swap3A_427 : vector<16xi32> to vector<16xi32>
      %swap3A_429 = vector.shape_cast %select_n3A_425 : vector<16xi32> to vector<16xi32>
      tpu.vector_store %arg8[%swap3A_426], %swap3A_429 {strides = array<i32>} : memref<128xi32, #tpu.memory_space<vmem>>, vector<16xi32>,
      %get3A_430 = arith.constant 39 : i32
      %get3A_431 = arith.constant 0 : i32
      %get3A_432 = tpu.memref_slice %arg7[%get3A_430, %get3A_431] : memref<40x128xi32, #tpu.memory_space<vmem>> -> memref<1x128xi32, #tpu.memory_space<vmem>>
      %get3A_433 = tpu.memref_squeeze %get3A_432 : memref<1x128xi32, #tpu.memory_space<vmem>> -> memref<128xi32, #tpu.memory_space<vmem>>
      %get3A_434 = arith.constant 112 : index
      %get3A_435 = tpu.vector_load %get3A_433[%get3A_434] {strides = array<i32>} : memref<128xi32, #tpu.memory_space<vmem>>, vector<16xi32>,
      %get3A_436 = vector.shape_cast %get3A_435 : vector<16xi32> to vector<16xi32>
      %sub3A_437 = vector.broadcast %mul3A_0 : i32 to vector<16xi32>
      %sub3A_438 = arith.subi %get3A_436, %sub3A_437 : vector<16xi32>
      %ge3A_439 = arith.constant 0 : i32
      %ge3A_440 = vector.broadcast %ge3A_439 : i32 to vector<16xi32>
      %ge3A_441 = arith.cmpi sge, %sub3A_438, %ge3A_440 : vector<16xi32>
      %lt3A_442 = arith.constant 5000 : i32
      %lt3A_443 = vector.broadcast %lt3A_442 : i32 to vector<16xi32>
      %lt3A_444 = arith.cmpi slt, %sub3A_438, %lt3A_443 : vector<16xi32>
      %and3A_445 = arith.andi %ge3A_441, %lt3A_444 : vector<16xi1>
      %add3A_446 = arith.constant 0 : i32
      %add3A_447 = vector.broadcast %add3A_446 : i32 to vector<16xi32>
      %add3A_448 = arith.addi %add3A_21, %add3A_447 : vector<16xi32>
      %select_n3A_449 = arith.select %and3A_445, %sub3A_438, %add3A_448 : vector<16xi1>, vector<16xi32>
      %swap3A_450 = arith.constant 112 : index
      %swap3A_451 = tpu.vector_load %arg8[%swap3A_450] {strides = array<i32>} : memref<128xi32, #tpu.memory_space<vmem>>, vector<16xi32>,
      %swap3A_452 = vector.shape_cast %swap3A_451 : vector<16xi32> to vector<16xi32>
      %swap3A_453 = vector.shape_cast %select_n3A_449 : vector<16xi32> to vector<16xi32>
      tpu.vector_store %arg8[%swap3A_450], %swap3A_453 {strides = array<i32>} : memref<128xi32, #tpu.memory_space<vmem>>, vector<16xi32>,
      "tpu.region"() ({
        %run_scoped3A = tpu.sem_alloc : memref<!tpu.dma_semaphore, #tpu.memory_space<semaphore_mem>>
        %dma_start3A_454 = arith.constant 0 : i32
        %dma_start3A_455 = arith.constant 0 : i32
        %dma_start3A_456 = tpu.memref_slice %arg12[%dma_start3A_454, %dma_start3A_455] : memref<5120x128xf32, #tpu.memory_space<vmem_shared>> -> memref<5120x128xf32, #tpu.memory_space<vmem_shared>>
        tpu.enqueue_indirect_dma source(%arg10 : memref<128x128xf32, #tpu.memory_space<vmem>>) target(%dma_start3A_456 : memref<5120x128xf32, #tpu.memory_space<vmem_shared>>) offsets(%arg8 : memref<128xi32, #tpu.memory_space<vmem>>) semaphore(%run_scoped3A : memref<!tpu.dma_semaphore, #tpu.memory_space<semaphore_mem>>) {add = true}
        %dma_wait3A_457 = arith.constant 0 : i32
        %dma_wait3A_458 = arith.constant 0 : i32
        %dma_wait3A_459 = tpu.memref_slice %arg12[%dma_wait3A_457, %dma_wait3A_458] : memref<5120x128xf32, #tpu.memory_space<vmem_shared>> -> memref<5120x128xf32, #tpu.memory_space<vmem_shared>>
        tpu.wait_indirect_dma semaphore(%run_scoped3A : memref<!tpu.dma_semaphore, #tpu.memory_space<semaphore_mem>>) src(%arg10 : memref<128x128xf32, #tpu.memory_space<vmem>>) dst(%dma_wait3A_459 : memref<5120x128xf32, #tpu.memory_space<vmem_shared>>)
        tpu.yield
      }) : () -> ()
    }
    %scan3A_26 = arith.constant 4 : i32
    %barrier3A_27 = arith.constant 0 : index
    tpu.barrier barrier_id(%barrier3A_27)
    %mul3A_28 = arith.constant 320 : i32
    %mul3A_29 = arith.muli %arg1, %mul3A_28 : i32
    %mul3A_30 = arith.constant 5120 : i32
    %mul3A_31 = arith.muli %arg0, %mul3A_30 : i32
    %mul3A_32 = arith.constant 320 : i32
    %mul3A_33 = arith.muli %arg1, %mul3A_32 : i32
    %add3A_34 = arith.addi %mul3A_31, %mul3A_33 : i32
    "tpu.region"() ({
      %run_scoped3A = tpu.sem_alloc : memref<!tpu.dma_semaphore, #tpu.memory_space<semaphore_mem>>
      %dma_start3A = arith.constant 0 : i32
      %dma_start3A_35 = tpu.memref_slice %arg5[%add3A_34, %dma_start3A] : memref<10240x128xf32, #tpu.memory_space<hbm>> -> memref<320x128xf32, #tpu.memory_space<hbm>>
      %dma_start3A_36 = arith.constant 0 : i32
      %dma_start3A_37 = tpu.memref_slice %arg12[%mul3A_29, %dma_start3A_36] : memref<5120x128xf32, #tpu.memory_space<vmem_shared>> -> memref<320x128xf32, #tpu.memory_space<vmem_shared>>
      tpu.enqueue_dma source(%dma_start3A_37 : memref<320x128xf32, #tpu.memory_space<vmem_shared>>) target(%dma_start3A_35 : memref<320x128xf32, #tpu.memory_space<hbm>>) target_semaphore(%run_scoped3A : memref<!tpu.dma_semaphore, #tpu.memory_space<semaphore_mem>>)
      %dma_wait3A = arith.constant 0 : i32
      %dma_wait3A_38 = tpu.memref_slice %arg5[%add3A_34, %dma_wait3A] : memref<10240x128xf32, #tpu.memory_space<hbm>> -> memref<320x128xf32, #tpu.memory_space<hbm>>
      %dma_wait3A_39 = arith.constant 0 : i32
      %dma_wait3A_40 = tpu.memref_slice %arg12[%mul3A_29, %dma_wait3A_39] : memref<5120x128xf32, #tpu.memory_space<vmem_shared>> -> memref<320x128xf32, #tpu.memory_space<vmem_shared>>
      tpu.wait_dma2 semaphore(%run_scoped3A : memref<!tpu.dma_semaphore, #tpu.memory_space<semaphore_mem>>) src(%dma_wait3A_40 : memref<320x128xf32, #tpu.memory_space<vmem_shared>>) dst(%dma_wait3A_38 : memref<320x128xf32, #tpu.memory_space<hbm>>)
      tpu.yield
    }) : () -> ()
    return
  }
}

module attributes {stable_mosaic.version = 14 : i64} {
  func.func @_tc_finish_body(%arg0: i32, %arg1: memref<2000x8xf32, #tpu.memory_space<vmem>>, %arg2: memref<2000x128xf32, #tpu.memory_space<vmem>>, %arg3: memref<128x8xf32, #tpu.memory_space<vmem>>, %arg4: memref<128x128xf32, #tpu.memory_space<vmem>>, %arg5: memref<128xf32, #tpu.memory_space<vmem>>, %arg6: memref<128xf32, #tpu.memory_space<vmem>>, %arg7: memref<2000x128xf32, #tpu.memory_space<vmem>>) attributes {dimension_semantics = [#tpu.dimension_semantics<arbitrary>], iteration_bounds = array<i64: 5>, scalar_prefetch = 0 : i64, scratch_operands = 0 : i64, tpu.core_type = #tpu.core_type<tc>, window_params = [{transform_indices = @transform_0, window_bounds = array<i64: 2000, 8>}, {transform_indices = @transform_1, window_bounds = array<i64: 2000, 128>}, {pipeline_mode = #tpu.pipeline_mode<synchronous>, transform_indices = @transform_2, window_bounds = array<i64: 128, 8>}, {pipeline_mode = #tpu.pipeline_mode<synchronous>, transform_indices = @transform_3, window_bounds = array<i64: 128, 128>}, {pipeline_mode = #tpu.pipeline_mode<synchronous>, transform_indices = @transform_4, window_bounds = array<i64: 128>}, {pipeline_mode = #tpu.pipeline_mode<synchronous>, transform_indices = @transform_5, window_bounds = array<i64: 128>}, {transform_indices = @transform_6, window_bounds = array<i64: 2000, 128>}]} {
    %get3A = arith.constant 0 : index
    %get3A_0 = arith.constant 0 : index
    %get3A_1 = vector.load %arg1[%get3A, %get3A_0] : memref<2000x8xf32, #tpu.memory_space<vmem>>, vector<2000x8xf32>
    %get3A_2 = arith.constant 0 : index
    %get3A_3 = arith.constant 0 : index
    %get3A_4 = vector.load %arg3[%get3A_2, %get3A_3] : memref<128x8xf32, #tpu.memory_space<vmem>>, vector<128x8xf32>
    %dot_general3A = arith.constant dense<0.000000e+00> : vector<2000x128xf32>
    %dot_general3A_5 = tpu.matmul %get3A_1, %get3A_4, %dot_general3A {dimension_numbers = #tpu.dot_dimension_numbers<[1], [1], [0], [0], [0, 0, 1, 0], [], []>, precision = #tpu.contract_precision<fp32>, transpose_lhs_hint = false} : vector<2000x8xf32>, vector<128x8xf32>, vector<2000x128xf32> -> vector<2000x128xf32>
    %get3A_6 = arith.constant 0 : index
    %get3A_7 = arith.constant 0 : index
    %get3A_8 = vector.load %arg2[%get3A_6, %get3A_7] : memref<2000x128xf32, #tpu.memory_space<vmem>>, vector<2000x128xf32>
    %get3A_9 = arith.constant 0 : index
    %get3A_10 = arith.constant 0 : index
    %get3A_11 = vector.load %arg4[%get3A_9, %get3A_10] : memref<128x128xf32, #tpu.memory_space<vmem>>, vector<128x128xf32>
    %dot_general3A_12 = arith.constant dense<0.000000e+00> : vector<2000x128xf32>
    %dot_general3A_13 = tpu.matmul %get3A_8, %get3A_11, %dot_general3A_12 {dimension_numbers = #tpu.dot_dimension_numbers<[1], [1], [0], [0], [0, 0, 1, 0], [], []>, precision = #tpu.contract_precision<fp32>, transpose_lhs_hint = false} : vector<2000x128xf32>, vector<128x128xf32>, vector<2000x128xf32> -> vector<2000x128xf32>
    %add3A = arith.addf %dot_general3A_5, %dot_general3A_13 : vector<2000x128xf32>
    %reduce_sum3A = arith.constant dense<0.000000e+00> : vector<2000xf32>
    %reduce_sum3A_14 = vector.multi_reduction <add>, %add3A, %reduce_sum3A [1] : vector<2000x128xf32> to vector<2000xf32>
    %broadcast_in_dim3A = vector.shape_cast %reduce_sum3A_14 : vector<2000xf32> to vector<2000x1xf32>
    %div3A = arith.constant 1.280000e+02 : f32
    %div3A_15 = vector.broadcast %div3A : f32 to vector<2000x1xf32>
    %div3A_16 = arith.divf %broadcast_in_dim3A, %div3A_15 : vector<2000x1xf32>
    %sub3A = vector.broadcast %div3A_16 : vector<2000x1xf32> to vector<2000x128xf32>
    %sub3A_17 = arith.subf %add3A, %sub3A : vector<2000x128xf32>
    %mul3A = arith.mulf %sub3A_17, %sub3A_17 : vector<2000x128xf32>
    %reduce_sum3A_18 = arith.constant dense<0.000000e+00> : vector<2000xf32>
    %reduce_sum3A_19 = vector.multi_reduction <add>, %mul3A, %reduce_sum3A_18 [1] : vector<2000x128xf32> to vector<2000xf32>
    %broadcast_in_dim3A_20 = vector.shape_cast %reduce_sum3A_19 : vector<2000xf32> to vector<2000x1xf32>
    %div3A_21 = arith.constant 1.280000e+02 : f32
    %div3A_22 = vector.broadcast %div3A_21 : f32 to vector<2000x1xf32>
    %div3A_23 = arith.divf %broadcast_in_dim3A_20, %div3A_22 : vector<2000x1xf32>
    %add3A_24 = arith.constant 9.99999974E-6 : f32
    %add3A_25 = vector.broadcast %add3A_24 : f32 to vector<2000x1xf32>
    %add3A_26 = arith.addf %div3A_23, %add3A_25 : vector<2000x1xf32>
    %sqrt3A = math.sqrt %add3A_26 : vector<2000x1xf32>
    %div3A_27 = vector.broadcast %sqrt3A : vector<2000x1xf32> to vector<2000x128xf32>
    %div3A_28 = arith.divf %sub3A_17, %div3A_27 : vector<2000x128xf32>
    %get3A_29 = arith.constant 0 : index
    %get3A_30 = vector.load %arg5[%get3A_29] : memref<128xf32, #tpu.memory_space<vmem>>, vector<128xf32>
    %broadcast_in_dim3A_31 = vector.shape_cast %get3A_30 : vector<128xf32> to vector<1x128xf32>
    %mul3A_32 = vector.broadcast %broadcast_in_dim3A_31 : vector<1x128xf32> to vector<2000x128xf32>
    %mul3A_33 = arith.mulf %div3A_28, %mul3A_32 : vector<2000x128xf32>
    %get3A_34 = arith.constant 0 : index
    %get3A_35 = vector.load %arg6[%get3A_34] : memref<128xf32, #tpu.memory_space<vmem>>, vector<128xf32>
    %broadcast_in_dim3A_36 = vector.shape_cast %get3A_35 : vector<128xf32> to vector<1x128xf32>
    %add3A_37 = vector.broadcast %broadcast_in_dim3A_36 : vector<1x128xf32> to vector<2000x128xf32>
    %add3A_38 = arith.addf %mul3A_33, %add3A_37 : vector<2000x128xf32>
    %max3A = arith.constant 0.000000e+00 : f32
    %max3A_39 = vector.broadcast %max3A : f32 to vector<2000x128xf32>
    %max3A_40 = arith.maximumf %add3A_38, %max3A_39 : vector<2000x128xf32>
    %swap3A = arith.constant 0 : index
    %swap3A_41 = arith.constant 0 : index
    %swap3A_42 = vector.load %arg7[%swap3A, %swap3A_41] : memref<2000x128xf32, #tpu.memory_space<vmem>>, vector<2000x128xf32>
    tpu.vector_store %arg7[%swap3A, %swap3A_41], %max3A_40 {strides = array<i32>} : memref<2000x128xf32, #tpu.memory_space<vmem>>, vector<2000x128xf32>,
    return
  }
  func.func @transform_0(%arg0: i32) -> (i32, i32) {
    %c0_i32 = arith.constant 0 : i32
    %c0_i32_0 = arith.constant 0 : i32
    return %arg0, %c0_i32 : i32, i32
  }
  func.func @transform_1(%arg0: i32) -> (i32, i32) {
    %c0_i32 = arith.constant 0 : i32
    %c0_i32_0 = arith.constant 0 : i32
    return %arg0, %c0_i32 : i32, i32
  }
  func.func @transform_2(%arg0: i32) -> (i32, i32) {
    %c0_i32 = arith.constant 0 : i32
    %c0_i32_0 = arith.constant 0 : i32
    %c0_i32_1 = arith.constant 0 : i32
    return %c0_i32, %c0_i32_0 : i32, i32
  }
  func.func @transform_3(%arg0: i32) -> (i32, i32) {
    %c0_i32 = arith.constant 0 : i32
    %c0_i32_0 = arith.constant 0 : i32
    %c0_i32_1 = arith.constant 0 : i32
    return %c0_i32, %c0_i32_0 : i32, i32
  }
  func.func @transform_4(%arg0: i32) -> i32 {
    %c0_i32 = arith.constant 0 : i32
    %c0_i32_0 = arith.constant 0 : i32
    return %c0_i32 : i32
  }
  func.func @transform_5(%arg0: i32) -> i32 {
    %c0_i32 = arith.constant 0 : i32
    %c0_i32_0 = arith.constant 0 : i32
    return %c0_i32 : i32
  }
  func.func @transform_6(%arg0: i32) -> (i32, i32) {
    %c0_i32 = arith.constant 0 : i32
    %c0_i32_0 = arith.constant 0 : i32
    return %arg0, %c0_i32 : i32, i32
  }
}

</mosaic_0001>

<sc_bundles>
// kernel: kernel.4.cloned.1.call-start
scs
__scs_entry_jumppad:
0x0: {  	(pc) =	sbr.rel $0x88, $3  }
0x1: {  	(tag) =	ssettag $0x0;
	lr =	simm.s32 $0x1  }
0x2: {  	[smem:$0x3F99] =	sst lr;
	_ =	strace $0xD0000000  }
0x3: {  	_ = 	snop  }
0x4: {  	_ = 	snop  }
0x5: {  	_ = 	snop  }
0x6: {  	_ = 	snop  }
0x7: {  	_ = 	snop  }
__scs_overlays_trampoline_lowered:
0x8: {  	[smem:$0x3FA8] =	sst s0  }
0x9: {  	[smem:$0x3FA9] =	sst s1  }
0xa: {  	[smem:$0x3FAA] =	sst s2  }
0xb: {  	[smem:$0x3FAB] =	sst s3  }
0xc: {  	[smem:$0x3FAC] =	sst s4  }
0xd: {  	[smem:$0x3FAD] =	sst s5  }
0xe: {  	[smem:$0x3FAE] =	sst s6  }
0xf: {  	[smem:$0x3FAF] =	sst s7  }
0x10: {  	[smem:$0x3FB0] =	sst s8  }
0x11: {  	[smem:$0x3FB1] =	sst s9;
	s0 =	simm.s32 @!p0 $0x0  }
0x12: {  	s1 =	sld [smem:$0x3F97];
	s0 =	simm.s32 @p0 $0x1  }
0x13: {  	[smem:$0x3FB2] =	sst s0;
	s0 =	simm.s32 @!p1 $0x0  }
0x14: {  	s2 =	sld [smem:$0x3F96];
	s0 =	simm.s32 @p1 $0x1  }
0x15: {  	[smem:$0x3FB3] =	sst s0;
	s0 =	simm.s32 @!p2 $0x0  }
0x16: {  	s3 =	sld [smem:$0x3FDB];
	s0 =	simm.s32 @p2 $0x1  }
0x17: {  	s4 =	simm.s32 $0x1BF5;
	[smem:$0x3FB5] =	sst s0  }
0x18: {  	s0 =	sld [smem:$0x3F98];
	_ =	swait.ge [sflag:s4], $0x0  }
0x19: {  	s7 =	sld [smem:$0x3F99]  }
0x1a: {  	s8 =	sadd.s32 $0xFFFFE003, lr  }
0x1b: {  	s9 =	sadd.s32 $0xFFFFFEF7, lr;
	s5 =	simm.s32 $0xFFFFFFFF;
	p2 =	slt.u32 s8, $0xFFFFF086  }
0x1c: {  	p1 =	slt.u32 s9, $0xF7A;
	s5 =	simm.s32 @!p2 $0x0  }
0x1d: {  	s5 =	simm.s32 @p1 $0x1;
	p0 =	seq.s32 s7, s2  }
0x1e: {  	s7 =	smul.u32 @!p0 $0xF7A, s2;
	p2 =	seq.s32 @!p0 s5, $0x0  }
0x1f: {  	s9 =	smul.u32 $0xF7A, s1;
	s8 =	simm.s32 @!p0 $0x1BF5;
	p2 =	por !p2, p0  }
0x20: {  	[sflag:s8] =	ssyncset.s32 @!p0 $0xFFFFF086;
	s6 =	sadd.s32 @!p0 s3, s7;
	s7 =	simm.s32 @!p0 $0x108  }
0x21: {  	s3 =	sadd.s32 s3, s9;
	s6 =	sadd.s32 @!p0 $0x88, s6;
	s7 =	simm.s32 @p2 $0x1082  }
0x22: {  	[simem:s7], [sflag:s8] =	dma.local @!p0 [hbm:s6], $0xF7A  }
0x23: {  	s9 =	sor.u32 $0xD0000000, s2;
	s6 =	simm.s32 $0x108;
	_ =	swait.ge @!p0 [sflag:s8], $0x0  }
0x24: {  	s3 =	sadd.s32 $0x88, s3;
	s6 =	simm.s32 @!p1 $0x1082;
	[sflag:s4] =	ssyncset.s32 $0xFFFFF086  }
0x25: {  	[simem:s6], [sflag:s4] =	dma.local [hbm:s3], $0xF7A  }
0x26: {  	[smem:$0x3F99] =	sst s1;
	(tag) =	ssettag s2;
	_ =	strace s9  }
0x27: {  	s1 =	sld [smem:$0x3FA9]  }
0x28: {  	s2 =	sld [smem:$0x3FAA]  }
0x29: {  	s4 =	sld [smem:$0x3FAC]  }
0x2a: {  	p0 =	seq.s32 s5, $0x0;
	s5 =	sld [smem:$0x3FAD]  }
0x2b: {  	s6 =	sld [smem:$0x3FAE]  }
0x2c: {  	s7 =	sld [smem:$0x3FAF]  }
0x2d: {  	s3 =	simm.s32 $0x108;
	s8 =	sld [smem:$0x3FB0]  }
0x2e: {  	s3 =	simm.s32 @!p0 $0x1082;
	s9 =	sld [smem:$0x3FB1]  }
0x2f: {  	lr =	sadd.s32 s0, s3;
	s0 =	sld [smem:$0x3FA8]  }
0x30: {  	s3 =	sld [smem:$0x3FAB]  }
0x31: {  	[smem:$0x3FB4] =	sst s10  }
0x32: {  	s10 =	sld [smem:$0x3FB2];
	_ =	sdelay $0x3  }
0x33: {  	p0 =	seq.s32 s10, $0x1;
	s10 =	sld [smem:$0x3FB4];
	_ =	sdelay $0x3  }
0x34: {  	[smem:$0x3FB4] =	sst s10  }
0x35: {  	s10 =	sld [smem:$0x3FB3];
	_ =	sdelay $0x3  }
0x36: {  	p1 =	seq.s32 s10, $0x1;
	s10 =	sld [smem:$0x3FB4];
	_ =	sdelay $0x3  }
0x37: {  	[smem:$0x3FB4] =	sst s10  }
0x38: {  	s10 =	sld [smem:$0x3FB5]  }
0x39: {  	_ = 	snop;
	(pc) =	sbr.ind lr, $3  }
0x3a: {  	_ = 	snop  }
0x3b: {  	_ = 	snop  }
0x3c: {  	p2 =	seq.s32 s10, $0x1;
	s10 =	sld [smem:$0x3FB4]  }
0x3d: {  	_ =	shalt  }
0x3e: {  	_ =	shalt  }
0x3f: {  	_ =	shalt  }
0x40: {  	_ =	shalt  }
0x41: {  	_ =	shalt  }
0x42: {  	_ =	shalt  }
0x43: {  	_ =	shalt  }
0x44: {  	_ =	shalt  }
0x45: {  	_ =	shalt  }
0x46: {  	_ =	shalt  }
0x47: {  	_ =	shalt  }
0x48: {  	_ =	shalt  }
0x49: {  	_ =	shalt  }
0x4a: {  	_ =	shalt  }
0x4b: {  	_ =	shalt  }
0x4c: {  	_ =	shalt  }
0x4d: {  	_ =	shalt  }
0x4e: {  	_ =	shalt  }
0x4f: {  	_ =	shalt  }
0x50: {  	_ =	shalt  }
0x51: {  	_ =	shalt  }
0x52: {  	_ =	shalt  }
0x53: {  	_ =	shalt  }
0x54: {  	_ =	shalt  }
0x55: {  	_ =	shalt  }
0x56: {  	_ =	shalt  }
0x57: {  	_ =	shalt  }
0x58: {  	_ =	shalt  }
0x59: {  	_ =	shalt  }
0x5a: {  	_ =	shalt  }
0x5b: {  	_ =	shalt  }
0x5c: {  	_ =	shalt  }
0x5d: {  	_ =	shalt  }
0x5e: {  	_ =	shalt  }
0x5f: {  	_ =	shalt  }
0x60: {  	_ =	shalt  }
0x61: {  	_ =	shalt  }
0x62: {  	_ =	shalt  }
0x63: {  	_ =	shalt  }
0x64: {  	_ =	shalt  }
0x65: {  	_ =	shalt  }
0x66: {  	_ =	shalt  }
0x67: {  	_ =	shalt  }
0x68: {  	_ =	shalt  }
0x69: {  	_ =	shalt  }
0x6a: {  	_ =	shalt  }
0x6b: {  	_ =	shalt  }
0x6c: {  	_ =	shalt  }
0x6d: {  	_ =	shalt  }
0x6e: {  	_ =	shalt  }
0x6f: {  	_ =	shalt  }
0x70: {  	_ =	shalt  }
0x71: {  	_ =	shalt  }
0x72: {  	_ =	shalt  }
0x73: {  	_ =	shalt  }
0x74: {  	_ =	shalt  }
0x75: {  	_ =	shalt  }
0x76: {  	_ =	shalt  }
0x77: {  	_ =	shalt  }
0x78: {  	_ =	shalt  }
0x79: {  	_ =	shalt  }
0x7a: {  	_ =	shalt  }
0x7b: {  	_ =	shalt  }
0x7c: {  	_ =	shalt  }
0x7d: {  	_ =	shalt  }
0x7e: {  	_ =	shalt  }
0x7f: {  	_ =	shalt  }
0x80: {  	_ =	shalt  }
0x81: {  	_ =	shalt  }
0x82: {  	_ =	shalt  }
0x83: {  	_ =	shalt  }
0x84: {  	_ =	shalt  }
0x85: {  	_ =	shalt  }
0x86: {  	_ =	shalt  }
0x87: {  	_ =	shalt  }
.Lfunc_end0:
.L_simem_size_0:
called_computation_lowered:
.L_overlay_start_0:
0x88: {  	s2 =	sld [smem:$0x3FD9]  }
0x89: {  	s3 =	sld [smem:$0x3FFE];
	_ =	sdelay $0x1  }
0x8a: {  	s1 =	srdreg.scid  }
0x8b: {  	s0 =	sand.u32 $0x1, s1  }
0x8c: {  	s17 =	sshll.u32 s0, $0xA;
	s2 =	sadd.s32 s3, s2  }
0x8d: {  	s2 =	sadd.s32 s2, s17  }
0x8e: {  	[smem:$0x3FC0] =	sst s2  }
0x8f: {  	_ = 	snop  }
0x90: {  	s2 =	sld [smem:$0x3FD0];
	(tm) =	ssettm $0x1  }
0x91: {  	s18 =	sld [smem:$0x3FFB];
	_ =	sdelay $0x3  }
0x92: {  	_ =	strace s18  }
0x93: {  	s3 =	sld [smem:$0x3FFC];
	_ =	sdelay $0x3  }
0x94: {  	_ =	strace s3  }
0x95: {  	s3 =	sld [smem:$0x3FFD];
	_ =	sdelay $0x3  }
0x96: {  	_ =	strace s3  }
0x97: {  	_ =	strace $0x8FFFFFFF  }
0x98: {  	s19 =	sld [smem:$0x3FDB];
	_ =	sdelay $0x1  }
0x99: {  	s4 =	simm.s32 $_scs_section_size  }
0x9a: {  	s5 =	simm.s32 $_size__tile_overlayer_lowered;
	s6 =	simm.s32 $_tile_overlayer_lowered  }
0x9b: {  	s22 =	simm.s32 $0x1BFF;
	s21 =	sshll.u32 s6, $0x1;
	s3 =	sadd.s32 s4, s19  }
0x9c: {  	s7 =	simm.s32 $0x0;
	s20 =	sshll.u32 s5, $0x1;
	s5 =	sadd.s32 s21, s3  }
0x9d: {  	[timem:s7], [sflag:s22] =	dma.local [hbm:s5], s20  }
0x9e: {  	_ =	swait.ge [sflag:s22], s20  }
0x9f: {  	s4 =	ssub.s32 $0x0, s20;
	[sflag:s22] =	ssyncset.done $0x0  }
0xa0: {  	[sflag:s22] =	ssyncadd.s32 s4;
	_ =	sdelay $0x1  }
0xa1: {  	s23 =	simm.s32 $0x1B8B  }
0xa2: {  	_ =	swait.ge [sflag:s23], $0x1  }
0xa3: {  	[sflag:s23] =	ssyncset.done $0x0  }
0xa4: {  	s25 =	simm.s32 $0x1B8E;
	s24 =	sld [smem:$0x3FFE];
	[sflag:s23] =	ssyncadd.s32 $0xFFFFFFFF  }
0xa5: {  	s26 =	simm.s32 $execute0_lowered;
	[smem:$0x3FD2] =	sst s25  }
0xa6: {  	s5 =	sshll.u32 s26, $0x1;
	_ =	strace $0x80000046;
	[dreg:$0x1] =	wrdreg $0xFFFFFFFF  }
0xa7: {  	s28 =	simm.s32 $_size_execute0_lowered;
	s3 =	sadd.s32 s3, s5;
	[dreg:$0x0] =	wrdreg $0x0  }
0xa8: {  	s5 =	sshll.u32 s28, $0x1;
	[dreg:$0x2] =	wrdreg s3  }
0xa9: {  	[dreg:$0x3] =	wrdreg s5  }
0xaa: {  	[dreg:$0x4] =	wrdreg $0xC0  }
0xab: {  	_ =	task [dreg:s7], $0x5FFFF  }
0xac: {  	[dreg:$0x1] =	wrdreg $0xFFFFFFFF  }
0xad: {  	[dreg:$0x0] =	wrdreg $0x60  }
0xae: {  	[dreg:$0x2] =	wrdreg s2  }
0xaf: {  	[dreg:$0x3] =	wrdreg s24  }
0xb0: {  	[dreg:$0x4] =	wrdreg $0xA8800  }
0xb1: {  	[dreg:$0x5] =	wrdreg $0x144C00  }
0xb2: {  	[dreg:$0x6] =	wrdreg $0x9  }
0xb3: {  	_ =	task.clear_ibuf [dreg:s7], $0x7FFFF;
	_ =	strace $0x90000046  }
0xb4: {  	s29 =	simm.s32 $0x9;
	_ =	strace $0x80000048  }
0xb5: {  	_ =	swait.ge [sflag:s29], $0x1  }
0xb6: {  	[sflag:s29] =	ssyncadd.s32 $0xFFFFFFFF  }
0xb7: {  	_ =	strace $0x90000048  }
0xb8: {  	_ =	sfence  }
0xb9: {  	s30 =	sld [smem:$0x0];
	_ =	sdelay $0x2  }
0xba: {  	s31 =	sshll.u32 s1, $0xD;
	s1 =	sshrl.u32 s1, $0x2  }
0xbb: {  	s3 =	sand.u32 $0x4000, s31;
	s1 =	sadd.s32 s1, s30  }
0xbc: {  	s0 =	sor.u32 s3, s0;
	s1 =	sshll.u32 s1, $0x11  }
0xbd: {  	s0 =	sor.u32 s1, s0  }
0xbe: {  	s0 =	sadd.s32 $0x8F2B, s0  }
0xbf: {  	[sflag:s0] =	ssyncadd.remote.s32 $0x1  }
0xc0: {  	_ =	sfence.sel $0xFFFF  }
0xc1: {  	[dreg:$0x0] =	wrdreg $0xFFFFFFFF;
	(pc) =	sbr.abs _section_cstart, $3  }
0xc2: {  	[dreg:$0x1] =	wrdreg $0xFFFFFFFF  }
0xc3: {  	_ =	task.clear_ibuf [dreg:s7], $0x2FFFF;
	_ =	strace $0x9FFFFFFF  }
0xc4: {  	(tm) =	ssettm $0x7FFFFFFF  }
0xc5: {  	_ =	shalt  }
tec
execute0_lowered:
.L_overlay_start_1:
0x0: {  	(tag) =	ssettag $0x1  }
0x1: {  	s0 =	rddreg [dreg:$0x0]  }
0x2: {  	s2 =	rddreg [dreg:$0x1]  }
0x3: {  	s1 =	rddreg [dreg:$0x2]  }
0x4: {  	s3 =	rddreg [dreg:$0x3];
	s4 =	simm.s32 $0x0  }
0x5: {  	s5 =	srdreg.scid;
	s20 =	stileid.u32;
	s15 =	simm.s32 $0x2880  }
0x6: {  	s16 =	simm.s32 $0x3;
	s21 =	simm.s32 $0x80;
	s22 =	simm.s32 $0x6880  }
0x7: {  	s23 =	simm.s32 $0x1;
	s24 =	simm.s32 $0x2800;
	s7 =	smul.u32 $0x1400, s20  }
0x8: {  	s25 =	simm.s32 $0x2;
	[smem:$0x7FF] =	sst s4;
	s11 =	smul.u32 $0x28000, s20  }
0x9: {  	s8 =	sand.u32 $0x1, s5;
	s5 =	sadd.s32 $0xB600, s2;
	s12 =	smul.u32 $0x27000, s20  }
0xa: {  	s6 =	sadd.s32 $0x1600, s2;
	s30 =	smul.u32 $0x1380, s20;
	s17 =	sadd.s32 $0x92400, s1  }
0xb: {  	p0 =	seq.s32 s20, $0xF;
	_ =	strace $0x80000047;
	s9 =	smul.u32 $0x14000, s8  }
0xc: {  	s10 =	ssub.s32 $0x2, s8;
	s18 =	smul.u32 $0x1388, s8;
	s17 =	sshrl.u32 @p0 s17, $0x3  }
0xd: {  	s26 =	sshrl.u32 s10, $0x1;
	s28 =	sshrl.u32 s11, $0x2;
	s29 =	sshrl.u32 s12, $0x2  }
0xe: {  	s31 =	sadd.s32 s0, s30;
	s11 =	smul.u32 $0xA0, s20;
	s7 =	sadd.s32 s7, s9  }
0xf: {  	s13 =	ssub.s32 s10, s26;
	s19 =	sadd.s32 s29, s1;
	[dreg:$0x5] =	wrdreg s31  }
0x10: {  	v8 =	vlaneseq.u32;
	s10 =	sadd.s32 $0x12480, s0;
	s0 =	sshll.u32 @!p0 s20, $0x6;
	s20 =	simm.s32 $0x1400  }
0x11: {  	v1 =	vimm.f32 $0.0e+00;
	v2 =	vadd.s32 $0x1388, v8;
	v3 =	vadd.s32 $0x1398, v8;
	s26 =	simm.s32 $0x1380;
	s2 =	sadd.s32 s7, s2;
	s7 =	sadd.s32 s28, s3  }
0x12: {  	v4 =	vadd.s32 $0x13A8, v8;
	v5 =	vadd.s32 $0x13B8, v8;
	v0 =	vmov s18;
	s13 =	smax.u32 s13, $0x1;
	s18 =	sor.u32 @!p0 $0x1C03, s0;
	s19 =	sshrl.u32 @!p0 s19, $0x3  }
0x13: {  	v6 =	vadd.s32 $0x13C8, v8;
	v7 =	vadd.s32 $0x13D8, v8;
	v8 =	vadd.s32 $0x13E8, v8;
	s8 =	sadd.s32 $0x8000, s7;
	s12 =	sadd.s32 $0x15600, s2;
	s14 =	sadd.s32 $0x4000, s7  }
.LBB2_1:
0x14: {  	s0 =	simm.s32 $0x0;
	s28 =	simm.s32 $0x200  }
.LBB2_2:
0x15: {  	p1 =	sne.s32 s28, $0xFE00;
	[tilespmem:s0+$0x28F0] =	vst v1  }
0x16: {  	[tilespmem:s0+$0x2880] =	vst v1  }
0x17: {  	[tilespmem:s0+$0x2890] =	vst v1  }
.Ltmp0:
0x18: {  	[tilespmem:s0+$0x28A0] =	vst v1;
	(pc) =	sbr.rel @p1 .LBB2_2-.Ltmp0, $4  }
0x19: {  	[tilespmem:s0+$0x28B0] =	vst v1  }
0x1a: {  	[tilespmem:s0+$0x28C0] =	vst v1  }
0x1b: {  	[tilespmem:s0+$0x28D0] =	vst v1  }
0x1c: {  	[tilespmem:s0+$0x28E0] =	vst v1;
	s0 =	sshra.s32 s28, $0x2;
	s28 =	sadd.s32 $0x200, s28  }
0x1d: {  	[tilespmem:s0+$0x28F0] =	vst v1  }
0x1e: {  	[tilespmem:s0+$0x2880] =	vst v1  }
0x1f: {  	[tilespmem:s0+$0x2890] =	vst v1  }
0x20: {  	[tilespmem:s0+$0x28A0] =	vst v1  }
0x21: {  	[tilespmem:s0+$0x28B0] =	vst v1  }
0x22: {  	[tilespmem:s0+$0x28C0] =	vst v1  }
0x23: {  	[tilespmem:s0+$0x28D0] =	vst v1  }
0x24: {  	[tilespmem:s0+$0x28E0] =	vst v1  }
0x25: {  	[spmem:s7] =	stream.linear.scatter [tilespmem:s15], [sflag:$0x3], $0x4000, $0x38;
	[tilespmem:$0x1E4C0] =	vst v63  }
0x26: {  	_ =	swait.ge [sflag:s16], $0x4000  }
0x27: {  	[sflag:s16] =	ssyncset.done $0x0  }
0x28: {  	[sflag:s16] =	ssyncadd.s32 $0xFFFFC000  }
0x29: {  	[spmem:s14] =	stream.linear.scatter [tilespmem:s15], [sflag:$0x3], $0x4000, $0x38;
	[tilespmem:$0x1E4C0] =	vst v63  }
0x2a: {  	_ =	swait.ge [sflag:s16], $0x4000  }
0x2b: {  	[sflag:s16] =	ssyncset.done $0x0  }
0x2c: {  	[sflag:s16] =	ssyncadd.s32 $0xFFFFC000  }
0x2d: {  	[spmem:s8] =	stream.linear.scatter [tilespmem:s15], [sflag:$0x3], $0x4000, $0x38;
	[tilespmem:$0x1E4C0] =	vst v63  }
0x2e: {  	_ =	swait.ge [sflag:s16], $0x4000  }
0x2f: {  	[sflag:s16] =	ssyncset.done $0x0  }
0x30: {  	[sflag:s16] =	ssyncadd.s32 $0xFFFFC000  }
0x31: {  	[spmem:s8] =	stream.linear.scatter [tilespmem:s15], [sflag:$0x3], $0x2000, $0x38;
	[tilespmem:$0x1E4C0] =	vst v63  }
0x32: {  	_ =	swait.ge [sflag:s16], $0x2000  }
0x33: {  	[sflag:s16] =	ssyncset.done $0x0  }
0x34: {  	s0 =	simm.s32 @p0 $0x1FC3;
	[sflag:s16] =	ssyncadd.s32 $0xFFFFE000  }
0x35: {  	[spmem:s17], [sflag:s0] =	dma.local @p0 [hbm:s10], $0x1400  }
0x36: {  	s0 =	simm.s32 @p0 $0x3  }
0x37: {  	_ =	swait.ge @p0 [sflag:s0], $0x1400  }
0x38: {  	[sflag:s0] =	ssyncset.done @p0 $0x0  }
0x39: {  	[sflag:s0] =	ssyncadd.s32 @p0 $0xFFFFEC00;
	s0 =	rddreg [dreg:$0x5]  }
0x3a: {  	[spmem:s19], [sflag:s18] =	dma.local @!p0 [hbm:s0], $0x1380  }
0x3b: {  	s0 =	simm.s32 @!p0 $0x3  }
0x3c: {  	_ =	swait.ge @!p0 [sflag:s0], $0x1380  }
0x3d: {  	[sflag:s0] =	ssyncset.done @!p0 $0x0  }
0x3e: {  	[sflag:s0] =	ssyncadd.s32 @!p0 $0xFFFFEC80  }
0x3f: {  	s28 =	simm.s32 $0x0;
	s29 =	simm.s32 $0x0;
	[bflag:$0x0] =	sbarrier.arrive $0xFFFF  }
.LBB2_4:
0x40: {  	s0 =	smul.u32 $0x28, s29;
	_ =	sdelay $0x1  }
0x41: {  	s0 =	sadd.s32 s11, s0  }
0x42: {  	s0 =	sshll.u32 s0, $0x4  }
0x43: {  	s2 =	sadd.s32 s5, s0  }
0x44: {  	[tilespmem:s28], [sflag:$0x3] =	stream.linear.gather [hbm4b:s2+s28], $0x1400, $0x38;
	[tilespmem:$0x1E4C0] =	vst v63  }
0x45: {  	_ =	swait.ge [sflag:s16], $0x1400  }
0x46: {  	[sflag:s16] =	ssyncset.done $0x0  }
0x47: {  	s0 =	sadd.s32 s6, s0;
	[sflag:s16] =	ssyncadd.s32 $0xFFFFEC00  }
0x48: {  	[tilespmem:s20], [sflag:$0x3] =	stream.linear.gather [hbm4b:s0+s28], $0x1400, $0x38;
	[tilespmem:$0x1E4C0] =	vst v63  }
0x49: {  	_ =	swait.ge [sflag:s16], $0x1400  }
0x4a: {  	[sflag:s16] =	ssyncset.done $0x0  }
0x4b: {  	[sflag:s16] =	ssyncadd.s32 $0xFFFFEC00  }
0x4c: {  	[tilespmem:s15], [sflag:$0x1] =	stream.indirect.gather [spmem:s1], $0x80, s28, s21, $0xb8;
	[tilespmem:$0x1E4C0] =	vst v63  }
0x4d: {  	s2 =	simm.s32 $0x80  }
0x4e: {  	[tilespmem:s22], [sflag:$0x2] =	stream.indirect.gather [spmem:s1], $0x80, s2, s21, $0xb8;
	[tilespmem:$0x1E4C0] =	vst v63  }
0x4f: {  	_ =	swait.ge [sflag:s23], $0x4000  }
0x50: {  	[sflag:s23] =	ssyncset.done $0x0  }
0x51: {  	s0 =	simm.s32 $0x0;
	[sflag:s23] =	ssyncadd.s32 $0xFFFFC000  }
0x52: {  	v9 =	vld [tilespmem:s0+$0x1400];
	_ =	sdelay $0x4  }
0x53: {  	v9 =	vsub.s32 v9, v0  }
0x54: {  	vm0 =	vlt.u32 v9, $0x1388  }
0x55: {  	v9 =	vsel vm0, v9, v2  }
0x56: {  	[tilespmem:$0x2800] =	vst v9  }
0x57: {  	v9 =	vld [tilespmem:s0+$0x1410];
	_ =	sdelay $0x4  }
0x58: {  	v9 =	vsub.s32 v9, v0  }
0x59: {  	vm13 =	vlt.u32 v9, $0x1388  }
0x5a: {  	v9 =	vsel vm13, v9, v3  }
0x5b: {  	[tilespmem:$0x2810] =	vst v9  }
0x5c: {  	v9 =	vld [tilespmem:s0+$0x1420];
	_ =	sdelay $0x4  }
0x5d: {  	v9 =	vsub.s32 v9, v0  }
0x5e: {  	vm14 =	vlt.u32 v9, $0x1388  }
0x5f: {  	v9 =	vsel vm14, v9, v4  }
0x60: {  	[tilespmem:$0x2820] =	vst v9  }
0x61: {  	v9 =	vld [tilespmem:s0+$0x1430];
	_ =	sdelay $0x4  }
0x62: {  	v9 =	vsub.s32 v9, v0  }
0x63: {  	vm15 =	vlt.u32 v9, $0x1388  }
0x64: {  	v9 =	vsel vm15, v9, v5  }
0x65: {  	[tilespmem:$0x2830] =	vst v9  }
0x66: {  	v9 =	vld [tilespmem:s0+$0x1440];
	_ =	sdelay $0x4  }
0x67: {  	v9 =	vsub.s32 v9, v0  }
0x68: {  	vm4 =	vlt.u32 v9, $0x1388  }
0x69: {  	v9 =	vsel vm4, v9, v6  }
0x6a: {  	[tilespmem:$0x2840] =	vst v9  }
0x6b: {  	v9 =	vld [tilespmem:s0+$0x1450];
	_ =	sdelay $0x4  }
0x6c: {  	v9 =	vsub.s32 v9, v0  }
0x6d: {  	vm5 =	vlt.u32 v9, $0x1388  }
0x6e: {  	v9 =	vsel vm5, v9, v7  }
0x6f: {  	[tilespmem:$0x2850] =	vst v9  }
0x70: {  	v9 =	vld [tilespmem:s0+$0x1460];
	_ =	sdelay $0x4  }
0x71: {  	v9 =	vsub.s32 v9, v0  }
0x72: {  	vm6 =	vlt.u32 v9, $0x1388  }
0x73: {  	v9 =	vsel vm6, v9, v8  }
0x74: {  	[tilespmem:$0x2860] =	vst v9  }
0x75: {  	v9 =	vld [tilespmem:s0+$0x1470];
	_ =	sdelay $0x4  }
0x76: {  	v9 =	vsub.s32 v9, v0  }
0x77: {  	vm7 =	vlt.u32 v9, $0x1388  }
0x78: {  	v9 =	vsel vm7, v9, v2  }
0x79: {  	[tilespmem:$0x2870] =	vst v9  }
0x7a: {  	[spmem:s3] =	stream.indirect.scatter.add.f32 [tilespmem:s15], [sflag:$0x3], $0x80, s24, s21, $0xb8;
	[tilespmem:$0x1E4C0] =	vst v63  }
0x7b: {  	_ =	swait.ge [sflag:s16], $0x4000  }
0x7c: {  	[sflag:s16] =	ssyncset.done $0x0  }
0x7d: {  	s9 =	simm.s32 $0x100;
	[sflag:s16] =	ssyncadd.s32 $0xFFFFC000  }
0x7e: {  	[tilespmem:s15], [sflag:$0x1] =	stream.indirect.gather [spmem:s1], $0x80, s9, s21, $0xb8;
	[tilespmem:$0x1E4C0] =	vst v63  }
0x7f: {  	_ =	swait.ge [sflag:s25], $0x4000  }
0x80: {  	[sflag:s25] =	ssyncset.done $0x0  }
0x81: {  	[sflag:s25] =	ssyncadd.s32 $0xFFFFC000  }
0x82: {  	v9 =	vld [tilespmem:s0+$0x1480];
	_ =	sdelay $0x4  }
0x83: {  	v9 =	vsub.s32 v9, v0  }
0x84: {  	vm8 =	vlt.u32 v9, $0x1388  }
0x85: {  	v9 =	vsel vm8, v9, v2  }
0x86: {  	[tilespmem:$0x2800] =	vst v9  }
0x87: {  	v9 =	vld [tilespmem:s0+$0x1490];
	_ =	sdelay $0x4  }
0x88: {  	v9 =	vsub.s32 v9, v0  }
0x89: {  	vm9 =	vlt.u32 v9, $0x1388  }
0x8a: {  	v9 =	vsel vm9, v9, v3  }
0x8b: {  	[tilespmem:$0x2810] =	vst v9  }
0x8c: {  	v9 =	vld [tilespmem:s0+$0x14A0];
	_ =	sdelay $0x4  }
0x8d: {  	v9 =	vsub.s32 v9, v0  }
0x8e: {  	vm10 =	vlt.u32 v9, $0x1388  }
0x8f: {  	v9 =	vsel vm10, v9, v4  }
0x90: {  	[tilespmem:$0x2820] =	vst v9  }
0x91: {  	v9 =	vld [tilespmem:s0+$0x14B0];
	_ =	sdelay $0x4  }
0x92: {  	v9 =	vsub.s32 v9, v0  }
0x93: {  	vm11 =	vlt.u32 v9, $0x1388  }
0x94: {  	v9 =	vsel vm11, v9, v5  }
0x95: {  	[tilespmem:$0x2830] =	vst v9  }
0x96: {  	v9 =	vld [tilespmem:s0+$0x14C0];
	_ =	sdelay $0x4  }
0x97: {  	v9 =	vsub.s32 v9, v0  }
0x98: {  	vm12 =	vlt.u32 v9, $0x1388  }
0x99: {  	v9 =	vsel vm12, v9, v6  }
0x9a: {  	[tilespmem:$0x2840] =	vst v9  }
0x9b: {  	v9 =	vld [tilespmem:s0+$0x14D0];
	_ =	sdelay $0x4  }
0x9c: {  	v9 =	vsub.s32 v9, v0  }
0x9d: {  	vm13 =	vlt.u32 v9, $0x1388  }
0x9e: {  	v9 =	vsel vm13, v9, v7  }
0x9f: {  	[tilespmem:$0x2850] =	vst v9  }
0xa0: {  	v9 =	vld [tilespmem:s0+$0x14E0];
	_ =	sdelay $0x4  }
0xa1: {  	v9 =	vsub.s32 v9, v0  }
0xa2: {  	vm14 =	vlt.u32 v9, $0x1388  }
0xa3: {  	v9 =	vsel vm14, v9, v8  }
0xa4: {  	[tilespmem:$0x2860] =	vst v9  }
0xa5: {  	v9 =	vld [tilespmem:s0+$0x14F0];
	_ =	sdelay $0x4  }
0xa6: {  	v9 =	vsub.s32 v9, v0  }
0xa7: {  	vm15 =	vlt.u32 v9, $0x1388  }
0xa8: {  	v9 =	vsel vm15, v9, v2  }
0xa9: {  	[tilespmem:$0x2870] =	vst v9  }
0xaa: {  	[spmem:s3] =	stream.indirect.scatter.add.f32 [tilespmem:s22], [sflag:$0x3], $0x80, s24, s21, $0xb8;
	[tilespmem:$0x1E4C0] =	vst v63  }
0xab: {  	_ =	swait.ge [sflag:s16], $0x4000  }
0xac: {  	s31 =	simm.s32 $0x800;
	s30 =	simm.s32 $0x100;
	[sflag:s16] =	ssyncset.done $0x0  }
.LBB2_5:
0xad: {  	s9 =	sadd.s32 $0x80, s30  }
0xae: {  	[sflag:s16] =	ssyncadd.s32 $0xFFFFC000;
	s0 =	smov.u32 s31;
	s2 =	sadd.s32 $0x400, s31  }
0xaf: {  	[tilespmem:s22], [sflag:$0x2] =	stream.indirect.gather [spmem:s1], $0x80, s9, s21, $0xb8;
	[tilespmem:$0x1E4C0] =	vst v63  }
0xb0: {  	p1 =	sne.s32 s31, $0x4800;
	_ =	swait.ge [sflag:s23], $0x4000  }
0xb1: {  	[sflag:s23] =	ssyncset.done $0x0  }
0xb2: {  	[sflag:s23] =	ssyncadd.s32 $0xFFFFC000  }
0xb3: {  	v9 =	vld [tilespmem:s30+$0x1400];
	_ =	sdelay $0x4  }
0xb4: {  	v9 =	vsub.s32 v9, v0  }
0xb5: {  	vm0 =	vlt.u32 v9, $0x1388  }
0xb6: {  	v9 =	vsel vm0, v9, v2  }
0xb7: {  	[tilespmem:$0x2800] =	vst v9  }
0xb8: {  	v9 =	vld [tilespmem:s30+$0x1410];
	_ =	sdelay $0x4  }
0xb9: {  	v9 =	vsub.s32 v9, v0  }
0xba: {  	vm0 =	vlt.u32 v9, $0x1388  }
0xbb: {  	v9 =	vsel vm0, v9, v3  }
0xbc: {  	[tilespmem:$0x2810] =	vst v9  }
0xbd: {  	v9 =	vld [tilespmem:s30+$0x1420];
	_ =	sdelay $0x4  }
0xbe: {  	v9 =	vsub.s32 v9, v0  }
0xbf: {  	vm0 =	vlt.u32 v9, $0x1388  }
0xc0: {  	v9 =	vsel vm0, v9, v4  }
0xc1: {  	[tilespmem:$0x2820] =	vst v9  }
0xc2: {  	v9 =	vld [tilespmem:s30+$0x1430];
	_ =	sdelay $0x4  }
0xc3: {  	v9 =	vsub.s32 v9, v0  }
0xc4: {  	vm0 =	vlt.u32 v9, $0x1388  }
0xc5: {  	v9 =	vsel vm0, v9, v5  }
0xc6: {  	[tilespmem:$0x2830] =	vst v9  }
0xc7: {  	v9 =	vld [tilespmem:s30+$0x1440];
	_ =	sdelay $0x4  }
0xc8: {  	v9 =	vsub.s32 v9, v0  }
0xc9: {  	vm0 =	vlt.u32 v9, $0x1388  }
0xca: {  	v9 =	vsel vm0, v9, v6  }
0xcb: {  	[tilespmem:$0x2840] =	vst v9  }
0xcc: {  	v9 =	vld [tilespmem:s30+$0x1450];
	_ =	sdelay $0x4  }
0xcd: {  	v9 =	vsub.s32 v9, v0  }
0xce: {  	vm0 =	vlt.u32 v9, $0x1388  }
0xcf: {  	v9 =	vsel vm0, v9, v7  }
0xd0: {  	[tilespmem:$0x2850] =	vst v9  }
0xd1: {  	v9 =	vld [tilespmem:s30+$0x1460];
	_ =	sdelay $0x4  }
0xd2: {  	v9 =	vsub.s32 v9, v0  }
0xd3: {  	vm0 =	vlt.u32 v9, $0x1388  }
0xd4: {  	v9 =	vsel vm0, v9, v8  }
0xd5: {  	[tilespmem:$0x2860] =	vst v9  }
0xd6: {  	v9 =	vld [tilespmem:s30+$0x1470];
	_ =	sdelay $0x4  }
0xd7: {  	v9 =	vsub.s32 v9, v0  }
0xd8: {  	vm0 =	vlt.u32 v9, $0x1388  }
0xd9: {  	v9 =	vsel vm0, v9, v2  }
0xda: {  	[tilespmem:$0x2870] =	vst v9  }
0xdb: {  	[spmem:s3] =	stream.indirect.scatter.add.f32 [tilespmem:s15], [sflag:$0x3], $0x80, s24, s21, $0xb8;
	[tilespmem:$0x1E4C0] =	vst v63  }
0xdc: {  	_ =	swait.ge [sflag:s16], $0x4000  }
0xdd: {  	[sflag:s16] =	ssyncset.done $0x0  }
0xde: {  	s9 =	sadd.s32 $0x100, s30;
	[sflag:s16] =	ssyncadd.s32 $0xFFFFC000  }
0xdf: {  	[tilespmem:s15], [sflag:$0x1] =	stream.indirect.gather [spmem:s1], $0x80, s9, s21, $0xb8;
	[tilespmem:$0x1E4C0] =	vst v63  }
0xe0: {  	_ =	swait.ge [sflag:s25], $0x4000  }
0xe1: {  	[sflag:s25] =	ssyncset.done $0x0  }
0xe2: {  	[sflag:s25] =	ssyncadd.s32 $0xFFFFC000  }
0xe3: {  	v9 =	vld [tilespmem:s30+$0x1480];
	_ =	sdelay $0x4  }
0xe4: {  	v9 =	vsub.s32 v9, v0  }
0xe5: {  	vm0 =	vlt.u32 v9, $0x1388  }
0xe6: {  	v9 =	vsel vm0, v9, v2  }
0xe7: {  	[tilespmem:$0x2800] =	vst v9  }
0xe8: {  	v9 =	vld [tilespmem:s30+$0x1490];
	_ =	sdelay $0x4  }
0xe9: {  	v9 =	vsub.s32 v9, v0  }
0xea: {  	vm0 =	vlt.u32 v9, $0x1388  }
0xeb: {  	v9 =	vsel vm0, v9, v3  }
0xec: {  	[tilespmem:$0x2810] =	vst v9  }
0xed: {  	v9 =	vld [tilespmem:s30+$0x14A0];
	_ =	sdelay $0x4  }
0xee: {  	v9 =	vsub.s32 v9, v0  }
0xef: {  	vm0 =	vlt.u32 v9, $0x1388  }
0xf0: {  	v9 =	vsel vm0, v9, v4  }
0xf1: {  	[tilespmem:$0x2820] =	vst v9  }
0xf2: {  	v9 =	vld [tilespmem:s30+$0x14B0];
	_ =	sdelay $0x4  }
0xf3: {  	v9 =	vsub.s32 v9, v0  }
0xf4: {  	vm0 =	vlt.u32 v9, $0x1388  }
0xf5: {  	v9 =	vsel vm0, v9, v5  }
0xf6: {  	[tilespmem:$0x2830] =	vst v9  }
0xf7: {  	v9 =	vld [tilespmem:s30+$0x14C0];
	_ =	sdelay $0x4  }
0xf8: {  	v9 =	vsub.s32 v9, v0  }
0xf9: {  	vm0 =	vlt.u32 v9, $0x1388  }
0xfa: {  	v9 =	vsel vm0, v9, v6  }
0xfb: {  	[tilespmem:$0x2840] =	vst v9  }
0xfc: {  	v9 =	vld [tilespmem:s30+$0x14D0];
	_ =	sdelay $0x4  }
0xfd: {  	v9 =	vsub.s32 v9, v0  }
0xfe: {  	vm0 =	vlt.u32 v9, $0x1388  }
0xff: {  	v9 =	vsel vm0, v9, v7  }
0x100: {  	[tilespmem:$0x2850] =	vst v9  }
0x101: {  	v9 =	vld [tilespmem:s30+$0x14E0];
	_ =	sdelay $0x4  }
0x102: {  	v9 =	vsub.s32 v9, v0  }
0x103: {  	vm0 =	vlt.u32 v9, $0x1388  }
0x104: {  	v9 =	vsel vm0, v9, v8  }
0x105: {  	[tilespmem:$0x2860] =	vst v9  }
0x106: {  	v9 =	vld [tilespmem:s30+$0x14F0];
	_ =	sdelay $0x4  }
0x107: {  	v9 =	vsub.s32 v9, v0  }
0x108: {  	vm0 =	vlt.u32 v9, $0x1388  }
.Ltmp1:
0x109: {  	v9 =	vsel vm0, v9, v2;
	(pc) =	sbr.rel @p1 .LBB2_5-.Ltmp1, $4  }
0x10a: {  	[tilespmem:$0x2870] =	vst v9  }
0x10b: {  	[spmem:s3] =	stream.indirect.scatter.add.f32 [tilespmem:s22], [sflag:$0x3], $0x80, s24, s21, $0xb8;
	[tilespmem:$0x1E4C0] =	vst v63  }
0x10c: {  	_ =	swait.ge [sflag:s16], $0x4000  }
0x10d: {  	s31 =	smov.u32 s2;
	s30 =	sshra.s32 s0, $0x2;
	[sflag:s16] =	ssyncset.done $0x0  }
0x10e: {  	s0 =	sadd.s32 $0x80, s30;
	[sflag:s16] =	ssyncadd.s32 $0xFFFFC000  }
0x10f: {  	[tilespmem:s22], [sflag:$0x2] =	stream.indirect.gather [spmem:s1], $0x80, s0, s21, $0xb8;
	[tilespmem:$0x1E4C0] =	vst v63  }
0x110: {  	_ =	swait.ge [sflag:s23], $0x4000  }
0x111: {  	[sflag:s23] =	ssyncset.done $0x0  }
0x112: {  	[sflag:s23] =	ssyncadd.s32 $0xFFFFC000  }
0x113: {  	v9 =	vld [tilespmem:s30+$0x1400];
	_ =	sdelay $0x4  }
0x114: {  	v9 =	vsub.s32 v9, v0  }
0x115: {  	vm0 =	vlt.u32 v9, $0x1388  }
0x116: {  	v9 =	vsel vm0, v9, v2  }
0x117: {  	[tilespmem:$0x2800] =	vst v9  }
0x118: {  	v9 =	vld [tilespmem:s30+$0x1410];
	_ =	sdelay $0x4  }
0x119: {  	v9 =	vsub.s32 v9, v0  }
0x11a: {  	vm9 =	vlt.u32 v9, $0x1388  }
0x11b: {  	v9 =	vsel vm9, v9, v3  }
0x11c: {  	[tilespmem:$0x2810] =	vst v9  }
0x11d: {  	v9 =	vld [tilespmem:s30+$0x1420];
	_ =	sdelay $0x4  }
0x11e: {  	v9 =	vsub.s32 v9, v0  }
0x11f: {  	vm10 =	vlt.u32 v9, $0x1388  }
0x120: {  	v9 =	vsel vm10, v9, v4  }
0x121: {  	[tilespmem:$0x2820] =	vst v9  }
0x122: {  	v9 =	vld [tilespmem:s30+$0x1430];
	_ =	sdelay $0x4  }
0x123: {  	v9 =	vsub.s32 v9, v0  }
0x124: {  	vm11 =	vlt.u32 v9, $0x1388  }
0x125: {  	v9 =	vsel vm11, v9, v5  }
0x126: {  	[tilespmem:$0x2830] =	vst v9  }
0x127: {  	v9 =	vld [tilespmem:s30+$0x1440];
	_ =	sdelay $0x4  }
0x128: {  	v9 =	vsub.s32 v9, v0  }
0x129: {  	vm12 =	vlt.u32 v9, $0x1388  }
0x12a: {  	v9 =	vsel vm12, v9, v6  }
0x12b: {  	[tilespmem:$0x2840] =	vst v9  }
0x12c: {  	v9 =	vld [tilespmem:s30+$0x1450];
	_ =	sdelay $0x4  }
0x12d: {  	v9 =	vsub.s32 v9, v0  }
0x12e: {  	vm13 =	vlt.u32 v9, $0x1388  }
0x12f: {  	v9 =	vsel vm13, v9, v7  }
0x130: {  	[tilespmem:$0x2850] =	vst v9  }
0x131: {  	v9 =	vld [tilespmem:s30+$0x1460];
	_ =	sdelay $0x4  }
0x132: {  	v9 =	vsub.s32 v9, v0  }
0x133: {  	vm14 =	vlt.u32 v9, $0x1388  }
0x134: {  	v9 =	vsel vm14, v9, v8  }
0x135: {  	[tilespmem:$0x2860] =	vst v9  }
0x136: {  	v9 =	vld [tilespmem:s30+$0x1470];
	_ =	sdelay $0x4  }
0x137: {  	v9 =	vsub.s32 v9, v0  }
0x138: {  	vm15 =	vlt.u32 v9, $0x1388  }
0x139: {  	v9 =	vsel vm15, v9, v2  }
0x13a: {  	[tilespmem:$0x2870] =	vst v9  }
0x13b: {  	[spmem:s3] =	stream.indirect.scatter.add.f32 [tilespmem:s15], [sflag:$0x3], $0x80, s24, s21, $0xb8;
	[tilespmem:$0x1E4C0] =	vst v63  }
0x13c: {  	_ =	swait.ge [sflag:s16], $0x4000  }
0x13d: {  	[sflag:s16] =	ssyncset.done $0x0  }
0x13e: {  	s31 =	sadd.s32 $0x100, s30;
	[sflag:s16] =	ssyncadd.s32 $0xFFFFC000  }
0x13f: {  	[tilespmem:s15], [sflag:$0x1] =	stream.indirect.gather [spmem:s1], $0x80, s31, s21, $0xb8;
	[tilespmem:$0x1E4C0] =	vst v63  }
0x140: {  	_ =	swait.ge [sflag:s25], $0x4000  }
0x141: {  	[sflag:s25] =	ssyncset.done $0x0  }
0x142: {  	[sflag:s25] =	ssyncadd.s32 $0xFFFFC000  }
0x143: {  	v9 =	vld [tilespmem:s30+$0x1480];
	_ =	sdelay $0x4  }
0x144: {  	v9 =	vsub.s32 v9, v0  }
0x145: {  	vm4 =	vlt.u32 v9, $0x1388  }
0x146: {  	v9 =	vsel vm4, v9, v2  }
0x147: {  	[tilespmem:$0x2800] =	vst v9  }
0x148: {  	v9 =	vld [tilespmem:s30+$0x1490];
	_ =	sdelay $0x4  }
0x149: {  	v9 =	vsub.s32 v9, v0  }
0x14a: {  	vm5 =	vlt.u32 v9, $0x1388  }
0x14b: {  	v9 =	vsel vm5, v9, v3  }
0x14c: {  	[tilespmem:$0x2810] =	vst v9  }
0x14d: {  	v9 =	vld [tilespmem:s30+$0x14A0];
	_ =	sdelay $0x4  }
0x14e: {  	v9 =	vsub.s32 v9, v0  }
0x14f: {  	vm6 =	vlt.u32 v9, $0x1388  }
0x150: {  	v9 =	vsel vm6, v9, v4  }
0x151: {  	[tilespmem:$0x2820] =	vst v9  }
0x152: {  	v9 =	vld [tilespmem:s30+$0x14B0];
	_ =	sdelay $0x4  }
0x153: {  	v9 =	vsub.s32 v9, v0  }
0x154: {  	vm7 =	vlt.u32 v9, $0x1388  }
0x155: {  	v9 =	vsel vm7, v9, v5  }
0x156: {  	[tilespmem:$0x2830] =	vst v9  }
0x157: {  	v9 =	vld [tilespmem:s30+$0x14C0];
	_ =	sdelay $0x4  }
0x158: {  	v9 =	vsub.s32 v9, v0  }
0x159: {  	vm8 =	vlt.u32 v9, $0x1388  }
0x15a: {  	v9 =	vsel vm8, v9, v6  }
0x15b: {  	[tilespmem:$0x2840] =	vst v9  }
0x15c: {  	v9 =	vld [tilespmem:s30+$0x14D0];
	_ =	sdelay $0x4  }
0x15d: {  	v9 =	vsub.s32 v9, v0  }
0x15e: {  	vm9 =	vlt.u32 v9, $0x1388  }
0x15f: {  	v9 =	vsel vm9, v9, v7  }
0x160: {  	[tilespmem:$0x2850] =	vst v9  }
0x161: {  	v9 =	vld [tilespmem:s30+$0x14E0];
	_ =	sdelay $0x4  }
0x162: {  	v9 =	vsub.s32 v9, v0  }
0x163: {  	vm10 =	vlt.u32 v9, $0x1388  }
0x164: {  	v9 =	vsel vm10, v9, v8  }
0x165: {  	[tilespmem:$0x2860] =	vst v9  }
0x166: {  	v9 =	vld [tilespmem:s30+$0x14F0];
	_ =	sdelay $0x4  }
0x167: {  	v9 =	vsub.s32 v9, v0  }
0x168: {  	vm11 =	vlt.u32 v9, $0x1388  }
0x169: {  	v9 =	vsel vm11, v9, v2  }
0x16a: {  	[tilespmem:$0x2870] =	vst v9  }
0x16b: {  	[spmem:s3] =	stream.indirect.scatter.add.f32 [tilespmem:s22], [sflag:$0x3], $0x80, s24, s21, $0xb8;
	[tilespmem:$0x1E4C0] =	vst v63  }
0x16c: {  	_ =	swait.ge [sflag:s16], $0x4000  }
0x16d: {  	[sflag:s16] =	ssyncset.done $0x0  }
0x16e: {  	[sflag:s16] =	ssyncadd.s32 $0xFFFFC000  }
0x16f: {  	[tilespmem:s22], [sflag:$0x2] =	stream.indirect.gather [spmem:s1], $0x80, s26, s21, $0xb8;
	[tilespmem:$0x1E4C0] =	vst v63  }
0x170: {  	_ =	swait.ge [sflag:s23], $0x4000  }
0x171: {  	[sflag:s23] =	ssyncset.done $0x0  }
0x172: {  	[sflag:s23] =	ssyncadd.s32 $0xFFFFC000  }
0x173: {  	v9 =	vld [tilespmem:$0x2700]  }
0x174: {  	v10 =	vld [tilespmem:$0x2710]  }
0x175: {  	v11 =	vld [tilespmem:$0x2720]  }
0x176: {  	v12 =	vld [tilespmem:$0x2730]  }
0x177: {  	v13 =	vld [tilespmem:$0x2740]  }
0x178: {  	v14 =	vld [tilespmem:$0x2750];
	v9 =	vsub.s32 v9, v0  }
0x179: {  	v15 =	vld [tilespmem:$0x2760];
	v10 =	vsub.s32 v10, v0;
	vm12 =	vlt.u32 v9, $0x1388  }
0x17a: {  	v16 =	vld [tilespmem:$0x2770];
	v11 =	vsub.s32 v11, v0;
	vm13 =	vlt.u32 v10, $0x1388;
	v9 =	vsel vm12, v9, v2  }
0x17b: {  	vm14 =	vlt.u32 v11, $0x1388;
	[tilespmem:$0x2800] =	vst v9;
	v9 =	vsel vm13, v10, v3;
	v10 =	vsub.s32 v12, v0  }
0x17c: {  	[tilespmem:$0x2810] =	vst v9;
	v9 =	vsel vm14, v11, v4;
	vm15 =	vlt.u32 v10, $0x1388;
	v11 =	vsub.s32 v13, v0  }
0x17d: {  	[tilespmem:$0x2820] =	vst v9;
	v9 =	vsel vm15, v10, v5;
	vm4 =	vlt.u32 v11, $0x1388;
	v10 =	vsub.s32 v14, v0  }
0x17e: {  	[tilespmem:$0x2830] =	vst v9;
	v9 =	vsel vm4, v11, v6;
	vm5 =	vlt.u32 v10, $0x1388;
	v11 =	vsub.s32 v15, v0  }
0x17f: {  	[tilespmem:$0x2840] =	vst v9;
	v9 =	vsel vm5, v10, v7;
	vm6 =	vlt.u32 v11, $0x1388;
	v10 =	vsub.s32 v16, v0  }
0x180: {  	[tilespmem:$0x2850] =	vst v9;
	v9 =	vsel vm6, v11, v8;
	vm7 =	vlt.u32 v10, $0x1388  }
0x181: {  	[tilespmem:$0x2860] =	vst v9;
	v9 =	vsel vm7, v10, v2  }
0x182: {  	[tilespmem:$0x2870] =	vst v9  }
0x183: {  	[spmem:s3] =	stream.indirect.scatter.add.f32 [tilespmem:s15], [sflag:$0x3], $0x80, s24, s21, $0xb8;
	[tilespmem:$0x1E4C0] =	vst v63  }
0x184: {  	_ =	swait.ge [sflag:s16], $0x4000  }
0x185: {  	[sflag:s16] =	ssyncset.done $0x0  }
0x186: {  	[sflag:s16] =	ssyncadd.s32 $0xFFFFC000  }
0x187: {  	_ =	swait.ge [sflag:s25], $0x4000  }
0x188: {  	[sflag:s25] =	ssyncset.done $0x0  }
0x189: {  	[sflag:s25] =	ssyncadd.s32 $0xFFFFC000  }
0x18a: {  	v9 =	vld [tilespmem:$0x2780]  }
0x18b: {  	v10 =	vld [tilespmem:$0x2790]  }
0x18c: {  	v11 =	vld [tilespmem:$0x27A0]  }
0x18d: {  	v59 =	vld [tilespmem:$0x27B0]  }
0x18e: {  	v60 =	vld [tilespmem:$0x27C0]  }
0x18f: {  	v61 =	vld [tilespmem:$0x27D0];
	v9 =	vsub.s32 v9, v0  }
0x190: {  	v62 =	vld [tilespmem:$0x27E0];
	v10 =	vsub.s32 v10, v0;
	vm8 =	vlt.u32 v9, $0x1388  }
0x191: {  	v63 =	vld [tilespmem:$0x27F0];
	v11 =	vsub.s32 v11, v0;
	vm9 =	vlt.u32 v10, $0x1388;
	v9 =	vsel vm8, v9, v2  }
0x192: {  	vm10 =	vlt.u32 v11, $0x1388;
	[tilespmem:$0x2800] =	vst v9;
	v9 =	vsel vm9, v10, v3;
	v10 =	vsub.s32 v59, v0  }
0x193: {  	[tilespmem:$0x2810] =	vst v9;
	v9 =	vsel vm10, v11, v4;
	vm11 =	vlt.u32 v10, $0x1388;
	v11 =	vsub.s32 v60, v0  }
0x194: {  	[tilespmem:$0x2820] =	vst v9;
	v9 =	vsel vm11, v10, v5;
	vm12 =	vlt.u32 v11, $0x1388;
	v10 =	vsub.s32 v61, v0  }
0x195: {  	[tilespmem:$0x2830] =	vst v9;
	v9 =	vsel vm12, v11, v6;
	vm13 =	vlt.u32 v10, $0x1388;
	v11 =	vsub.s32 v62, v0  }
0x196: {  	[tilespmem:$0x2840] =	vst v9;
	v9 =	vsel vm13, v10, v7;
	vm14 =	vlt.u32 v11, $0x1388;
	v10 =	vsub.s32 v63, v0  }
0x197: {  	s29 =	sadd.s32 $0x1, s29;
	[tilespmem:$0x2850] =	vst v9;
	v9 =	vsel vm14, v11, v8;
	vm15 =	vlt.u32 v10, $0x1388  }
0x198: {  	p1 =	sne.s32 s29, $0x4;
	[tilespmem:$0x2860] =	vst v9;
	v9 =	vsel vm15, v10, v2  }
.Ltmp2:
0x199: {  	[tilespmem:$0x2870] =	vst v9;
	(pc) =	sbr.rel @p1 .LBB2_4-.Ltmp2, $4  }
0x19a: {  	[spmem:s3] =	stream.indirect.scatter.add.f32 [tilespmem:s22], [sflag:$0x3], $0x80, s24, s21, $0xb8;
	[tilespmem:$0x1E4C0] =	vst v63  }
0x19b: {  	_ =	swait.ge [sflag:s16], $0x4000  }
0x19c: {  	[sflag:s16] =	ssyncset.done $0x0  }
0x19d: {  	[sflag:s16] =	ssyncadd.s32 $0xFFFFC000  }
0x19e: {  	s0 =	stileid.u32;
	s4 =	sadd.s32 $0x1, s4  }
0x19f: {  	[bflag:$0x0] =	sbarrier.arrive $0xFFFF;
	s0 =	sshll.u32 s0, $0x6;
	p1 =	sne.s32 s4, s13  }
.Ltmp3:
0x1a0: {  	s2 =	sshrl.u32 s7, $0x3;
	s0 =	sor.u32 $0x1C03, s0;
	(pc) =	sbr.rel @p1 .LBB2_1-.Ltmp3, $4  }
0x1a1: {  	[hbm:s12], [sflag:s0] =	dma.local [spmem:s2], $0x1400  }
0x1a2: {  	_ =	swait.ge [sflag:s16], $0x1400  }
0x1a3: {  	[sflag:s16] =	ssyncset.done $0x0  }
0x1a4: {  	[sflag:s16] =	ssyncadd.s32 $0xFFFFEC00  }
0x1a5: {  	_ =	sfence.sel $0x180000  }
0x1a6: {  	[bflag:$0x0] =	sbarrier.arrive $0xFFFF  }
0x1a7: {  	_ =	strace $0x90000047  }
0x1a8: {  	s0 =	stileid.u32;
	[bflag:$0x2] =	sbarrier.arrive $0xFFFF  }
0x1a9: {  	p0 =	sne.s32 s0, $0x0;
	s0 =	rddreg [dreg:$0x4]  }
0x1aa: {  	s0 =	sadd.s32 @!p0 $0x100000, s0  }
0x1ab: {  	[sflag:s0] =	ssyncadd.tile.s32 @!p0 $0x1;
	_ =	shalt  }
.Lfunc_end2:
_tile_overlayer_lowered:
.L_overlay_start_2:
0x1ac: {  	(tag) =	ssettag $0x2  }
0x1ad: {  	s0 =	rddreg [dreg:$0x0];
	s2 =	stileid.u32  }
0x1ae: {  	s1 =	rddreg [dreg:$0x1];
	p0 =	sne.s32 s2, $0x0  }
0x1af: {  	s3 =	rddreg [dreg:$0x2];
	[bflag:$0x3] =	sbarrier.arrive $0xFFFF;
	s2 =	simm.s32 @!p0 $0x1C03  }
0x1b0: {  	[timem:s3], [sflag:s2] =	dma.local @!p0 [hbm:s0], s1  }
0x1b1: {  	s0 =	simm.s32 @!p0 $0x3  }
0x1b2: {  	_ =	swait.ge @!p0 [sflag:s0], s1  }
0x1b3: {  	s1 =	ssub.s32 @!p0 $0x0, s1;
	[sflag:s0] =	ssyncset.done @!p0 $0x0  }
0x1b4: {  	[sflag:s0] =	ssyncadd.s32 @!p0 s1  }
0x1b5: {  	[bflag:$0x3] =	sbarrier.arrive $0xFFFF  }
0x1b6: {  	_ =	shalt  }

</sc_bundles>
